<compile_context>
chip_gen: v7x
topology: tpu7x:2x2x1
jax: 0.10.2.dev20260603
libtpu: 0.0.44.dev20260713+nightly
codegen_flags: <defaults>
</compile_context>

<pallas_src>
import functools

import jax
import jax.numpy as jnp
from jax import lax
from jax.experimental import pallas as pl
from jax.experimental.pallas import tpu as pltpu
from jax.experimental.pallas import tpu_sc as plsc

DIM = 64
BLK = 128
L = 16


@functools.cache
def _make_gather(B, S, V, nw, nc):
    assert B == nw * BLK and S % 2 == 0
    mesh = plsc.VectorSubcoreMesh(core_axis_name="c", subcore_axis_name="s")

    @functools.partial(
        pl.kernel,
        mesh=mesh,
        compiler_params=pltpu.CompilerParams(
            use_tc_tiling_on_sc=True, needs_layout_passes=False
        ),
        out_type=jax.ShapeDtypeStruct((S, DIM, B), jnp.float32),
        scratch_types=[
            pltpu.VMEM((DIM * V,), jnp.float32),
            pltpu.VMEM((S, BLK), jnp.int32),
            pltpu.VMEM((2, DIM, BLK), jnp.float32),
            pltpu.SemaphoreType.DMA((2,)),
            pltpu.SemaphoreType.DMA((2,)),
        ],
    )
    def gather_kernel(tablet_hbm, idx_hbm, out_hbm, tablet_v, idx_v, slab_v, ssem, lsem):
        wid = lax.axis_index("s") * nc + lax.axis_index("c")
        pltpu.async_copy(tablet_hbm, tablet_v, lsem.at[0])
        pltpu.async_copy(idx_hbm.at[:, pl.ds(wid * BLK, BLK)], idx_v, lsem.at[1])
        pltpu.make_async_copy(tablet_hbm, tablet_v, lsem.at[0]).wait()
        pltpu.make_async_copy(
            idx_hbm.at[:, pl.ds(0, BLK)], idx_v, lsem.at[1]
        ).wait()

        def body(jj, carry):
            for b in range(2):
                r = jj * 2 + b

                @pl.when(jj > 0)
                def _():
                    pltpu.make_async_copy(
                        slab_v.at[b], out_hbm.at[0, :, pl.ds(0, BLK)], ssem.at[b]
                    ).wait()

                idxv = [
                    idx_v[r, pl.ds(L * k, L)] for k in range(BLK // L)
                ]

                @plsc.parallel_loop(0, DIM, unroll=8)
                def _(c):
                    for k in range(BLK // L):
                        val = plsc.load_gather(tablet_v, [idxv[k] + c * V])
                        slab_v[b, c, pl.ds(L * k, L)] = val

                pltpu.async_copy(
                    slab_v.at[b],
                    out_hbm.at[r, :, pl.ds(wid * BLK, BLK)],
                    ssem.at[b],
                )
            return carry

        lax.fori_loop(0, S // 2, body, 0)
        for b in range(2):
            pltpu.make_async_copy(
                slab_v.at[b], out_hbm.at[0, :, pl.ds(0, BLK)], ssem.at[b]
            ).wait()

    return gather_kernel


def kernel(x, table_en, table_zh, table_jp):
    table = jnp.concatenate([table_en, table_zh, table_jp], axis=0)
    info = plsc.get_sparse_core_info()
    nw = info.num_cores * info.num_subcores
    B, S = x.shape
    out_t = _make_gather(B, S, table.shape[0], nw, info.num_cores)(
        table.T.reshape(-1), x.T
    )
    return jnp.transpose(out_t, (2, 0, 1))

# --- scband reference (transcript-rebuilt; emitter-appended) ---
"""Pipeline reference for scband-multilingual-embedding-11630771438250 (READ-ONLY COPY).

The authoritative reference and input builder live on the scoring server;
editing this copy changes nothing except your own understanding.
"""

import jax, jax.numpy as jnp
import numpy as np

DIM = 64
PAD = 0
VOCAB_PER_LANG = 500

def _init_table(key, n, dim):
    std = (2.0 / (n + dim)) ** 0.5
    val = (3.0 ** 0.5) * std
    w = jax.random.uniform(key, (n, dim), minval=-val, maxval=val, dtype=jnp.float32)
    return w.at[PAD].set(0.0)

def setup_inputs(seed: int = 0):
    key = jax.random.key(seed)
    ks = jax.random.split(key, 4)
    inp = {}
    inp["x"] = jax.random.randint(ks[0], (4096, 50), 0, 1200, dtype=jnp.int32)
    inp["table_en"] = _init_table(ks[1], VOCAB_PER_LANG, DIM)
    inp["table_zh"] = _init_table(ks[2], VOCAB_PER_LANG, DIM)
    inp["table_jp"] = _init_table(ks[3], VOCAB_PER_LANG, DIM)
    return inp

def reference(x, table_en, table_zh, table_jp):
    # symbol_id is None -> concatenate all language tables and embed
    concat_tables = jnp.concatenate([table_en, table_zh, table_jp], axis=0)
    out = jnp.take(concat_tables, x, axis=0)
    return out

if __name__ == "__main__":
    import jax
    _d = setup_inputs()
    print(jax.jit(kernel)(*tuple(_d.values())))

</pallas_src>

<mosaic_0001>
#map = affine_map<(d0, d1) -> (0)>
#map1 = affine_map<(d0, d1) -> (0, 0)>
#map2 = affine_map<(d0, d1) -> (0, 0, 0)>
module attributes {stable_mosaic.version = 14 : i64} {
  func.func @gather_kernel(%arg0: i32, %arg1: i32, %arg2: memref<96000xf32, #tpu.memory_space<hbm>>, %arg3: memref<50x4096xi32, #tpu.memory_space<hbm>>, %arg4: memref<50x64x4096xf32, #tpu.memory_space<hbm>>, %arg5: memref<96000xf32, #tpu.memory_space<vmem>>, %arg6: memref<50x128xi32, #tpu.memory_space<vmem>>, %arg7: memref<2x64x128xf32, #tpu.memory_space<vmem>>, %arg8: memref<2x!tpu.dma_semaphore, #tpu.memory_space<semaphore_mem>>, %arg9: memref<2x!tpu.dma_semaphore, #tpu.memory_space<semaphore_mem>>) attributes {dimension_semantics = [#tpu.dimension_semantics<core_parallel>, #tpu.dimension_semantics<subcore_parallel>], iteration_bounds = array<i64: 2, 16>, scalar_prefetch = 0 : i64, scratch_operands = 5 : i64, tpu.core_type = #tpu.core_type<sc_vector_subcore>, window_params = [{transform_indices = #map}, {transform_indices = #map1}, {transform_indices = #map2}]} {
    %mul3A = arith.constant 2 : i32
    %mul3A_0 = arith.muli %arg1, %mul3A : i32
    %add3A = arith.addi %mul3A_0, %arg0 : i32
    %dma_start3A = arith.constant 0 : i32
    %dma_start3A_1 = tpu.memref_slice %arg9[%dma_start3A] : memref<2x!tpu.dma_semaphore, #tpu.memory_space<semaphore_mem>> -> memref<1x!tpu.dma_semaphore, #tpu.memory_space<semaphore_mem>>
    %dma_start3A_2 = tpu.memref_squeeze %dma_start3A_1 : memref<1x!tpu.dma_semaphore, #tpu.memory_space<semaphore_mem>> -> memref<!tpu.dma_semaphore, #tpu.memory_space<semaphore_mem>>
    tpu.enqueue_dma source(%arg2 : memref<96000xf32, #tpu.memory_space<hbm>>) target(%arg5 : memref<96000xf32, #tpu.memory_space<vmem>>) target_semaphore(%dma_start3A_2 : memref<!tpu.dma_semaphore, #tpu.memory_space<semaphore_mem>>)
    %mul3A_3 = arith.constant 128 : i32
    %mul3A_4 = arith.muli %add3A, %mul3A_3 : i32
    %dma_start3A_5 = arith.constant 1 : i32
    %dma_start3A_6 = arith.constant 0 : i32
    %dma_start3A_7 = tpu.memref_slice %arg3[%dma_start3A_6, %mul3A_4] : memref<50x4096xi32, #tpu.memory_space<hbm>> -> memref<50x128xi32, #tpu.memory_space<hbm>>
    %dma_start3A_8 = tpu.memref_slice %arg9[%dma_start3A_5] : memref<2x!tpu.dma_semaphore, #tpu.memory_space<semaphore_mem>> -> memref<1x!tpu.dma_semaphore, #tpu.memory_space<semaphore_mem>>
    %dma_start3A_9 = tpu.memref_squeeze %dma_start3A_8 : memref<1x!tpu.dma_semaphore, #tpu.memory_space<semaphore_mem>> -> memref<!tpu.dma_semaphore, #tpu.memory_space<semaphore_mem>>
    %dma_start3A_10 = arith.constant 0 : i32
    %dma_start3A_11 = tpu.memref_slice %arg3[%dma_start3A_10, %mul3A_4] : memref<50x4096xi32, #tpu.memory_space<hbm>> -> memref<50x128xi32, #tpu.memory_space<hbm>>
    tpu.enqueue_dma source(%dma_start3A_11 : memref<50x128xi32, #tpu.memory_space<hbm>>) target(%arg6 : memref<50x128xi32, #tpu.memory_space<vmem>>) target_semaphore(%dma_start3A_9 : memref<!tpu.dma_semaphore, #tpu.memory_space<semaphore_mem>>)
    %dma_wait3A = arith.constant 0 : i32
    %dma_wait3A_12 = tpu.memref_slice %arg9[%dma_wait3A] : memref<2x!tpu.dma_semaphore, #tpu.memory_space<semaphore_mem>> -> memref<1x!tpu.dma_semaphore, #tpu.memory_space<semaphore_mem>>
    %dma_wait3A_13 = tpu.memref_squeeze %dma_wait3A_12 : memref<1x!tpu.dma_semaphore, #tpu.memory_space<semaphore_mem>> -> memref<!tpu.dma_semaphore, #tpu.memory_space<semaphore_mem>>
    tpu.wait_dma2 semaphore(%dma_wait3A_13 : memref<!tpu.dma_semaphore, #tpu.memory_space<semaphore_mem>>) src(%arg2 : memref<96000xf32, #tpu.memory_space<hbm>>) dst(%arg5 : memref<96000xf32, #tpu.memory_space<vmem>>)
    %dma_wait3A_14 = arith.constant 1 : i32
    %dma_wait3A_15 = arith.constant 0 : i32
    %dma_wait3A_16 = arith.constant 0 : i32
    %dma_wait3A_17 = tpu.memref_slice %arg3[%dma_wait3A_15, %dma_wait3A_16] : memref<50x4096xi32, #tpu.memory_space<hbm>> -> memref<50x128xi32, #tpu.memory_space<hbm>>
    %dma_wait3A_18 = tpu.memref_slice %arg9[%dma_wait3A_14] : memref<2x!tpu.dma_semaphore, #tpu.memory_space<semaphore_mem>> -> memref<1x!tpu.dma_semaphore, #tpu.memory_space<semaphore_mem>>
    %dma_wait3A_19 = tpu.memref_squeeze %dma_wait3A_18 : memref<1x!tpu.dma_semaphore, #tpu.memory_space<semaphore_mem>> -> memref<!tpu.dma_semaphore, #tpu.memory_space<semaphore_mem>>
    %dma_wait3A_20 = arith.constant 0 : i32
    %dma_wait3A_21 = arith.constant 0 : i32
    %dma_wait3A_22 = tpu.memref_slice %arg3[%dma_wait3A_20, %dma_wait3A_21] : memref<50x4096xi32, #tpu.memory_space<hbm>> -> memref<50x128xi32, #tpu.memory_space<hbm>>
    tpu.wait_dma2 semaphore(%dma_wait3A_19 : memref<!tpu.dma_semaphore, #tpu.memory_space<semaphore_mem>>) src(%dma_wait3A_22 : memref<50x128xi32, #tpu.memory_space<hbm>>) dst(%arg6 : memref<50x128xi32, #tpu.memory_space<vmem>>)
    %scan3A = arith.constant 0 : i32
    %scan3A_23 = arith.constant 0 : i32
    %scan3A_24 = arith.constant 25 : i32
    %scan3A_25 = arith.addi %scan3A_23, %scan3A_24 : i32
    %scan3A_26 = arith.constant 1 : i32
    scf.for %scan3A_70 = %scan3A_23 to %scan3A_25 step %scan3A_26  : i32 {
      %mul3A_71 = arith.constant 2 : i32
      %mul3A_72 = arith.muli %scan3A_70, %mul3A_71 : i32
      %add3A_73 = arith.constant 0 : i32
      %add3A_74 = arith.addi %mul3A_72, %add3A_73 : i32
      %gt3A = arith.constant 0 : i32
      %gt3A_75 = arith.cmpi sgt, %scan3A_70, %gt3A : i32
      %convert_element_type3A = arith.extui %gt3A_75 : i1 to i32
      %cond3A = arith.constant 0 : i32
      %cond3A_76 = arith.cmpi ne, %convert_element_type3A, %cond3A : i32
      scf.if %cond3A_76 {
        %dma_wait3A_178 = arith.constant 0 : i32
        %dma_wait3A_179 = arith.constant 0 : i32
        %dma_wait3A_180 = arith.constant 0 : i32
        %dma_wait3A_181 = arith.constant 0 : i32
        %dma_wait3A_182 = arith.constant 0 : i32
        %dma_wait3A_183 = tpu.memref_slice %arg7[%dma_wait3A_178, %dma_wait3A_181, %dma_wait3A_182] : memref<2x64x128xf32, #tpu.memory_space<vmem>> -> memref<1x64x128xf32, #tpu.memory_space<vmem>>
        %dma_wait3A_184 = tpu.memref_squeeze %dma_wait3A_183 : memref<1x64x128xf32, #tpu.memory_space<vmem>> -> memref<64x128xf32, #tpu.memory_space<vmem>>
        %dma_wait3A_185 = arith.constant 0 : i32
        %dma_wait3A_186 = arith.constant 0 : i32
        %dma_wait3A_187 = tpu.memref_slice %arg4[%dma_wait3A_179, %dma_wait3A_185, %dma_wait3A_186] : memref<50x64x4096xf32, #tpu.memory_space<hbm>> -> memref<1x64x128xf32, #tpu.memory_space<hbm>>
        %dma_wait3A_188 = tpu.memref_squeeze %dma_wait3A_187 : memref<1x64x128xf32, #tpu.memory_space<hbm>> -> memref<64x128xf32, #tpu.memory_space<hbm>>
        %dma_wait3A_189 = tpu.memref_slice %arg8[%dma_wait3A_180] : memref<2x!tpu.dma_semaphore, #tpu.memory_space<semaphore_mem>> -> memref<1x!tpu.dma_semaphore, #tpu.memory_space<semaphore_mem>>
        %dma_wait3A_190 = tpu.memref_squeeze %dma_wait3A_189 : memref<1x!tpu.dma_semaphore, #tpu.memory_space<semaphore_mem>> -> memref<!tpu.dma_semaphore, #tpu.memory_space<semaphore_mem>>
        %dma_wait3A_191 = arith.constant 0 : i32
        %dma_wait3A_192 = arith.constant 0 : i32
        %dma_wait3A_193 = tpu.memref_slice %arg4[%dma_wait3A_179, %dma_wait3A_191, %dma_wait3A_192] : memref<50x64x4096xf32, #tpu.memory_space<hbm>> -> memref<1x64x128xf32, #tpu.memory_space<hbm>>
        %dma_wait3A_194 = tpu.memref_squeeze %dma_wait3A_193 : memref<1x64x128xf32, #tpu.memory_space<hbm>> -> memref<64x128xf32, #tpu.memory_space<hbm>>
        %dma_wait3A_195 = arith.constant 0 : i32
        %dma_wait3A_196 = arith.constant 0 : i32
        %dma_wait3A_197 = tpu.memref_slice %arg7[%dma_wait3A_178, %dma_wait3A_195, %dma_wait3A_196] : memref<2x64x128xf32, #tpu.memory_space<vmem>> -> memref<1x64x128xf32, #tpu.memory_space<vmem>>
        %dma_wait3A_198 = tpu.memref_squeeze %dma_wait3A_197 : memref<1x64x128xf32, #tpu.memory_space<vmem>> -> memref<64x128xf32, #tpu.memory_space<vmem>>
        tpu.wait_dma2 semaphore(%dma_wait3A_190 : memref<!tpu.dma_semaphore, #tpu.memory_space<semaphore_mem>>) src(%dma_wait3A_198 : memref<64x128xf32, #tpu.memory_space<vmem>>) dst(%dma_wait3A_194 : memref<64x128xf32, #tpu.memory_space<hbm>>)
      } else {
      }
      %get3A = arith.index_cast %add3A_74 : i32 to index
      %get3A_77 = arith.constant 0 : index
      %get3A_78 = tpu.vector_load %arg6[%get3A, %get3A_77] {strides = array<i32>} : memref<50x128xi32, #tpu.memory_space<vmem>>, vector<16xi32>,
      %get3A_79 = arith.index_cast %add3A_74 : i32 to index
      %get3A_80 = arith.constant 16 : index
      %get3A_81 = tpu.vector_load %arg6[%get3A_79, %get3A_80] {strides = array<i32>} : memref<50x128xi32, #tpu.memory_space<vmem>>, vector<16xi32>,
      %get3A_82 = arith.index_cast %add3A_74 : i32 to index
      %get3A_83 = arith.constant 32 : index
      %get3A_84 = tpu.vector_load %arg6[%get3A_82, %get3A_83] {strides = array<i32>} : memref<50x128xi32, #tpu.memory_space<vmem>>, vector<16xi32>,
      %get3A_85 = arith.index_cast %add3A_74 : i32 to index
      %get3A_86 = arith.constant 48 : index
      %get3A_87 = tpu.vector_load %arg6[%get3A_85, %get3A_86] {strides = array<i32>} : memref<50x128xi32, #tpu.memory_space<vmem>>, vector<16xi32>,
      %get3A_88 = arith.index_cast %add3A_74 : i32 to index
      %get3A_89 = arith.constant 64 : index
      %get3A_90 = tpu.vector_load %arg6[%get3A_88, %get3A_89] {strides = array<i32>} : memref<50x128xi32, #tpu.memory_space<vmem>>, vector<16xi32>,
      %get3A_91 = arith.index_cast %add3A_74 : i32 to index
      %get3A_92 = arith.constant 80 : index
      %get3A_93 = tpu.vector_load %arg6[%get3A_91, %get3A_92] {strides = array<i32>} : memref<50x128xi32, #tpu.memory_space<vmem>>, vector<16xi32>,
      %get3A_94 = arith.index_cast %add3A_74 : i32 to index
      %get3A_95 = arith.constant 96 : index
      %get3A_96 = tpu.vector_load %arg6[%get3A_94, %get3A_95] {strides = array<i32>} : memref<50x128xi32, #tpu.memory_space<vmem>>, vector<16xi32>,
      %get3A_97 = arith.index_cast %add3A_74 : i32 to index
      %get3A_98 = arith.constant 112 : index
      %get3A_99 = tpu.vector_load %arg6[%get3A_97, %get3A_98] {strides = array<i32>} : memref<50x128xi32, #tpu.memory_space<vmem>>, vector<16xi32>,
      %parallel_loop3A = arith.constant 0 : i32
      %parallel_loop3A_100 = arith.constant 64 : i32
      %parallel_loop3A_101 = arith.constant 1 : i32
      scf.for %parallel_loop3A_178 = %parallel_loop3A to %parallel_loop3A_100 step %parallel_loop3A_101  : i32 {
        %parallel_loop3A_179 = arith.constant 1500 : i32
        %parallel_loop3A_180 = arith.muli %parallel_loop3A_178, %parallel_loop3A_179 : i32
        %parallel_loop3A_181 = vector.broadcast %parallel_loop3A_180 : i32 to vector<16xi32>
        %parallel_loop3A_182 = arith.addi %get3A_78, %parallel_loop3A_181 : vector<16xi32>
        %parallel_loop3A_183 = tpu.vector_load_idx %arg5[%parallel_loop3A_182] : memref<96000xf32, #tpu.memory_space<vmem>>[vector<16xi32>], vector<16xf32>,
        %parallel_loop3A_184 = arith.constant 0 : i32
        %parallel_loop3A_185 = arith.index_cast %parallel_loop3A_184 : i32 to index
        %parallel_loop3A_186 = arith.index_cast %parallel_loop3A_178 : i32 to index
        %parallel_loop3A_187 = arith.constant 0 : index
        %parallel_loop3A_188 = tpu.vector_load %arg7[%parallel_loop3A_185, %parallel_loop3A_186, %parallel_loop3A_187] {strides = array<i32>} : memref<2x64x128xf32, #tpu.memory_space<vmem>>, vector<16xf32>,
        tpu.vector_store %arg7[%parallel_loop3A_185, %parallel_loop3A_186, %parallel_loop3A_187], %parallel_loop3A_183 {strides = array<i32>} : memref<2x64x128xf32, #tpu.memory_space<vmem>>, vector<16xf32>,
        %parallel_loop3A_189 = arith.constant 1500 : i32
        %parallel_loop3A_190 = arith.muli %parallel_loop3A_178, %parallel_loop3A_189 : i32
        %parallel_loop3A_191 = vector.broadcast %parallel_loop3A_190 : i32 to vector<16xi32>
        %parallel_loop3A_192 = arith.addi %get3A_81, %parallel_loop3A_191 : vector<16xi32>
        %parallel_loop3A_193 = tpu.vector_load_idx %arg5[%parallel_loop3A_192] : memref<96000xf32, #tpu.memory_space<vmem>>[vector<16xi32>], vector<16xf32>,
        %parallel_loop3A_194 = arith.constant 0 : i32
        %parallel_loop3A_195 = arith.index_cast %parallel_loop3A_194 : i32 to index
        %parallel_loop3A_196 = arith.index_cast %parallel_loop3A_178 : i32 to index
        %parallel_loop3A_197 = arith.constant 16 : index
        %parallel_loop3A_198 = tpu.vector_load %arg7[%parallel_loop3A_195, %parallel_loop3A_196, %parallel_loop3A_197] {strides = array<i32>} : memref<2x64x128xf32, #tpu.memory_space<vmem>>, vector<16xf32>,
        tpu.vector_store %arg7[%parallel_loop3A_195, %parallel_loop3A_196, %parallel_loop3A_197], %parallel_loop3A_193 {strides = array<i32>} : memref<2x64x128xf32, #tpu.memory_space<vmem>>, vector<16xf32>,
        %parallel_loop3A_199 = arith.constant 1500 : i32
        %parallel_loop3A_200 = arith.muli %parallel_loop3A_178, %parallel_loop3A_199 : i32
        %parallel_loop3A_201 = vector.broadcast %parallel_loop3A_200 : i32 to vector<16xi32>
        %parallel_loop3A_202 = arith.addi %get3A_84, %parallel_loop3A_201 : vector<16xi32>
        %parallel_loop3A_203 = tpu.vector_load_idx %arg5[%parallel_loop3A_202] : memref<96000xf32, #tpu.memory_space<vmem>>[vector<16xi32>], vector<16xf32>,
        %parallel_loop3A_204 = arith.constant 0 : i32
        %parallel_loop3A_205 = arith.index_cast %parallel_loop3A_204 : i32 to index
        %parallel_loop3A_206 = arith.index_cast %parallel_loop3A_178 : i32 to index
        %parallel_loop3A_207 = arith.constant 32 : index
        %parallel_loop3A_208 = tpu.vector_load %arg7[%parallel_loop3A_205, %parallel_loop3A_206, %parallel_loop3A_207] {strides = array<i32>} : memref<2x64x128xf32, #tpu.memory_space<vmem>>, vector<16xf32>,
        tpu.vector_store %arg7[%parallel_loop3A_205, %parallel_loop3A_206, %parallel_loop3A_207], %parallel_loop3A_203 {strides = array<i32>} : memref<2x64x128xf32, #tpu.memory_space<vmem>>, vector<16xf32>,
        %parallel_loop3A_209 = arith.constant 1500 : i32
        %parallel_loop3A_210 = arith.muli %parallel_loop3A_178, %parallel_loop3A_209 : i32
        %parallel_loop3A_211 = vector.broadcast %parallel_loop3A_210 : i32 to vector<16xi32>
        %parallel_loop3A_212 = arith.addi %get3A_87, %parallel_loop3A_211 : vector<16xi32>
        %parallel_loop3A_213 = tpu.vector_load_idx %arg5[%parallel_loop3A_212] : memref<96000xf32, #tpu.memory_space<vmem>>[vector<16xi32>], vector<16xf32>,
        %parallel_loop3A_214 = arith.constant 0 : i32
        %parallel_loop3A_215 = arith.index_cast %parallel_loop3A_214 : i32 to index
        %parallel_loop3A_216 = arith.index_cast %parallel_loop3A_178 : i32 to index
        %parallel_loop3A_217 = arith.constant 48 : index
        %parallel_loop3A_218 = tpu.vector_load %arg7[%parallel_loop3A_215, %parallel_loop3A_216, %parallel_loop3A_217] {strides = array<i32>} : memref<2x64x128xf32, #tpu.memory_space<vmem>>, vector<16xf32>,
        tpu.vector_store %arg7[%parallel_loop3A_215, %parallel_loop3A_216, %parallel_loop3A_217], %parallel_loop3A_213 {strides = array<i32>} : memref<2x64x128xf32, #tpu.memory_space<vmem>>, vector<16xf32>,
        %parallel_loop3A_219 = arith.constant 1500 : i32
        %parallel_loop3A_220 = arith.muli %parallel_loop3A_178, %parallel_loop3A_219 : i32
        %parallel_loop3A_221 = vector.broadcast %parallel_loop3A_220 : i32 to vector<16xi32>
        %parallel_loop3A_222 = arith.addi %get3A_90, %parallel_loop3A_221 : vector<16xi32>
        %parallel_loop3A_223 = tpu.vector_load_idx %arg5[%parallel_loop3A_222] : memref<96000xf32, #tpu.memory_space<vmem>>[vector<16xi32>], vector<16xf32>,
        %parallel_loop3A_224 = arith.constant 0 : i32
        %parallel_loop3A_225 = arith.index_cast %parallel_loop3A_224 : i32 to index
        %parallel_loop3A_226 = arith.index_cast %parallel_loop3A_178 : i32 to index
        %parallel_loop3A_227 = arith.constant 64 : index
        %parallel_loop3A_228 = tpu.vector_load %arg7[%parallel_loop3A_225, %parallel_loop3A_226, %parallel_loop3A_227] {strides = array<i32>} : memref<2x64x128xf32, #tpu.memory_space<vmem>>, vector<16xf32>,
        tpu.vector_store %arg7[%parallel_loop3A_225, %parallel_loop3A_226, %parallel_loop3A_227], %parallel_loop3A_223 {strides = array<i32>} : memref<2x64x128xf32, #tpu.memory_space<vmem>>, vector<16xf32>,
        %parallel_loop3A_229 = arith.constant 1500 : i32
        %parallel_loop3A_230 = arith.muli %parallel_loop3A_178, %parallel_loop3A_229 : i32
        %parallel_loop3A_231 = vector.broadcast %parallel_loop3A_230 : i32 to vector<16xi32>
        %parallel_loop3A_232 = arith.addi %get3A_93, %parallel_loop3A_231 : vector<16xi32>
        %parallel_loop3A_233 = tpu.vector_load_idx %arg5[%parallel_loop3A_232] : memref<96000xf32, #tpu.memory_space<vmem>>[vector<16xi32>], vector<16xf32>,
        %parallel_loop3A_234 = arith.constant 0 : i32
        %parallel_loop3A_235 = arith.index_cast %parallel_loop3A_234 : i32 to index
        %parallel_loop3A_236 = arith.index_cast %parallel_loop3A_178 : i32 to index
        %parallel_loop3A_237 = arith.constant 80 : index
        %parallel_loop3A_238 = tpu.vector_load %arg7[%parallel_loop3A_235, %parallel_loop3A_236, %parallel_loop3A_237] {strides = array<i32>} : memref<2x64x128xf32, #tpu.memory_space<vmem>>, vector<16xf32>,
        tpu.vector_store %arg7[%parallel_loop3A_235, %parallel_loop3A_236, %parallel_loop3A_237], %parallel_loop3A_233 {strides = array<i32>} : memref<2x64x128xf32, #tpu.memory_space<vmem>>, vector<16xf32>,
        %parallel_loop3A_239 = arith.constant 1500 : i32
        %parallel_loop3A_240 = arith.muli %parallel_loop3A_178, %parallel_loop3A_239 : i32
        %parallel_loop3A_241 = vector.broadcast %parallel_loop3A_240 : i32 to vector<16xi32>
        %parallel_loop3A_242 = arith.addi %get3A_96, %parallel_loop3A_241 : vector<16xi32>
        %parallel_loop3A_243 = tpu.vector_load_idx %arg5[%parallel_loop3A_242] : memref<96000xf32, #tpu.memory_space<vmem>>[vector<16xi32>], vector<16xf32>,
        %parallel_loop3A_244 = arith.constant 0 : i32
        %parallel_loop3A_245 = arith.index_cast %parallel_loop3A_244 : i32 to index
        %parallel_loop3A_246 = arith.index_cast %parallel_loop3A_178 : i32 to index
        %parallel_loop3A_247 = arith.constant 96 : index
        %parallel_loop3A_248 = tpu.vector_load %arg7[%parallel_loop3A_245, %parallel_loop3A_246, %parallel_loop3A_247] {strides = array<i32>} : memref<2x64x128xf32, #tpu.memory_space<vmem>>, vector<16xf32>,
        tpu.vector_store %arg7[%parallel_loop3A_245, %parallel_loop3A_246, %parallel_loop3A_247], %parallel_loop3A_243 {strides = array<i32>} : memref<2x64x128xf32, #tpu.memory_space<vmem>>, vector<16xf32>,
        %parallel_loop3A_249 = arith.constant 1500 : i32
        %parallel_loop3A_250 = arith.muli %parallel_loop3A_178, %parallel_loop3A_249 : i32
        %parallel_loop3A_251 = vector.broadcast %parallel_loop3A_250 : i32 to vector<16xi32>
        %parallel_loop3A_252 = arith.addi %get3A_99, %parallel_loop3A_251 : vector<16xi32>
        %parallel_loop3A_253 = tpu.vector_load_idx %arg5[%parallel_loop3A_252] : memref<96000xf32, #tpu.memory_space<vmem>>[vector<16xi32>], vector<16xf32>,
        %parallel_loop3A_254 = arith.constant 0 : i32
        %parallel_loop3A_255 = arith.index_cast %parallel_loop3A_254 : i32 to index
        %parallel_loop3A_256 = arith.index_cast %parallel_loop3A_178 : i32 to index
        %parallel_loop3A_257 = arith.constant 112 : index
        %parallel_loop3A_258 = tpu.vector_load %arg7[%parallel_loop3A_255, %parallel_loop3A_256, %parallel_loop3A_257] {strides = array<i32>} : memref<2x64x128xf32, #tpu.memory_space<vmem>>, vector<16xf32>,
        tpu.vector_store %arg7[%parallel_loop3A_255, %parallel_loop3A_256, %parallel_loop3A_257], %parallel_loop3A_253 {strides = array<i32>} : memref<2x64x128xf32, #tpu.memory_space<vmem>>, vector<16xf32>,
      } {sc.loop_unroll_factor = 8 : i64, sc.parallel_access}
      %mul3A_102 = arith.constant 128 : i32
      %mul3A_103 = arith.muli %add3A, %mul3A_102 : i32
      %dma_start3A_104 = arith.constant 0 : i32
      %dma_start3A_105 = arith.constant 0 : i32
      %dma_start3A_106 = arith.constant 0 : i32
      %dma_start3A_107 = arith.constant 0 : i32
      %dma_start3A_108 = tpu.memref_slice %arg7[%dma_start3A_104, %dma_start3A_106, %dma_start3A_107] : memref<2x64x128xf32, #tpu.memory_space<vmem>> -> memref<1x64x128xf32, #tpu.memory_space<vmem>>
      %dma_start3A_109 = tpu.memref_squeeze %dma_start3A_108 : memref<1x64x128xf32, #tpu.memory_space<vmem>> -> memref<64x128xf32, #tpu.memory_space<vmem>>
      %dma_start3A_110 = arith.constant 0 : i32
      %dma_start3A_111 = tpu.memref_slice %arg4[%add3A_74, %dma_start3A_110, %mul3A_103] : memref<50x64x4096xf32, #tpu.memory_space<hbm>> -> memref<1x64x128xf32, #tpu.memory_space<hbm>>
      %dma_start3A_112 = tpu.memref_squeeze %dma_start3A_111 : memref<1x64x128xf32, #tpu.memory_space<hbm>> -> memref<64x128xf32, #tpu.memory_space<hbm>>
      %dma_start3A_113 = tpu.memref_slice %arg8[%dma_start3A_105] : memref<2x!tpu.dma_semaphore, #tpu.memory_space<semaphore_mem>> -> memref<1x!tpu.dma_semaphore, #tpu.memory_space<semaphore_mem>>
      %dma_start3A_114 = tpu.memref_squeeze %dma_start3A_113 : memref<1x!tpu.dma_semaphore, #tpu.memory_space<semaphore_mem>> -> memref<!tpu.dma_semaphore, #tpu.memory_space<semaphore_mem>>
      %dma_start3A_115 = arith.constant 0 : i32
      %dma_start3A_116 = tpu.memref_slice %arg4[%add3A_74, %dma_start3A_115, %mul3A_103] : memref<50x64x4096xf32, #tpu.memory_space<hbm>> -> memref<1x64x128xf32, #tpu.memory_space<hbm>>
      %dma_start3A_117 = tpu.memref_squeeze %dma_start3A_116 : memref<1x64x128xf32, #tpu.memory_space<hbm>> -> memref<64x128xf32, #tpu.memory_space<hbm>>
      %dma_start3A_118 = arith.constant 0 : i32
      %dma_start3A_119 = arith.constant 0 : i32
      %dma_start3A_120 = tpu.memref_slice %arg7[%dma_start3A_104, %dma_start3A_118, %dma_start3A_119] : memref<2x64x128xf32, #tpu.memory_space<vmem>> -> memref<1x64x128xf32, #tpu.memory_space<vmem>>
      %dma_start3A_121 = tpu.memref_squeeze %dma_start3A_120 : memref<1x64x128xf32, #tpu.memory_space<vmem>> -> memref<64x128xf32, #tpu.memory_space<vmem>>
      tpu.enqueue_dma source(%dma_start3A_121 : memref<64x128xf32, #tpu.memory_space<vmem>>) target(%dma_start3A_117 : memref<64x128xf32, #tpu.memory_space<hbm>>) target_semaphore(%dma_start3A_114 : memref<!tpu.dma_semaphore, #tpu.memory_space<semaphore_mem>>)
      %mul3A_122 = arith.constant 2 : i32
      %mul3A_123 = arith.muli %scan3A_70, %mul3A_122 : i32
      %add3A_124 = arith.constant 1 : i32
      %add3A_125 = arith.addi %mul3A_123, %add3A_124 : i32
      %gt3A_126 = arith.constant 0 : i32
      %gt3A_127 = arith.cmpi sgt, %scan3A_70, %gt3A_126 : i32
      %convert_element_type3A_128 = arith.extui %gt3A_127 : i1 to i32
      %cond3A_129 = arith.constant 0 : i32
      %cond3A_130 = arith.cmpi ne, %convert_element_type3A_128, %cond3A_129 : i32
      scf.if %cond3A_130 {
        %dma_wait3A_178 = arith.constant 1 : i32
        %dma_wait3A_179 = arith.constant 0 : i32
        %dma_wait3A_180 = arith.constant 1 : i32
        %dma_wait3A_181 = arith.constant 0 : i32
        %dma_wait3A_182 = arith.constant 0 : i32
        %dma_wait3A_183 = tpu.memref_slice %arg7[%dma_wait3A_178, %dma_wait3A_181, %dma_wait3A_182] : memref<2x64x128xf32, #tpu.memory_space<vmem>> -> memref<1x64x128xf32, #tpu.memory_space<vmem>>
        %dma_wait3A_184 = tpu.memref_squeeze %dma_wait3A_183 : memref<1x64x128xf32, #tpu.memory_space<vmem>> -> memref<64x128xf32, #tpu.memory_space<vmem>>
        %dma_wait3A_185 = arith.constant 0 : i32
        %dma_wait3A_186 = arith.constant 0 : i32
        %dma_wait3A_187 = tpu.memref_slice %arg4[%dma_wait3A_179, %dma_wait3A_185, %dma_wait3A_186] : memref<50x64x4096xf32, #tpu.memory_space<hbm>> -> memref<1x64x128xf32, #tpu.memory_space<hbm>>
        %dma_wait3A_188 = tpu.memref_squeeze %dma_wait3A_187 : memref<1x64x128xf32, #tpu.memory_space<hbm>> -> memref<64x128xf32, #tpu.memory_space<hbm>>
        %dma_wait3A_189 = tpu.memref_slice %arg8[%dma_wait3A_180] : memref<2x!tpu.dma_semaphore, #tpu.memory_space<semaphore_mem>> -> memref<1x!tpu.dma_semaphore, #tpu.memory_space<semaphore_mem>>
        %dma_wait3A_190 = tpu.memref_squeeze %dma_wait3A_189 : memref<1x!tpu.dma_semaphore, #tpu.memory_space<semaphore_mem>> -> memref<!tpu.dma_semaphore, #tpu.memory_space<semaphore_mem>>
        %dma_wait3A_191 = arith.constant 0 : i32
        %dma_wait3A_192 = arith.constant 0 : i32
        %dma_wait3A_193 = tpu.memref_slice %arg4[%dma_wait3A_179, %dma_wait3A_191, %dma_wait3A_192] : memref<50x64x4096xf32, #tpu.memory_space<hbm>> -> memref<1x64x128xf32, #tpu.memory_space<hbm>>
        %dma_wait3A_194 = tpu.memref_squeeze %dma_wait3A_193 : memref<1x64x128xf32, #tpu.memory_space<hbm>> -> memref<64x128xf32, #tpu.memory_space<hbm>>
        %dma_wait3A_195 = arith.constant 0 : i32
        %dma_wait3A_196 = arith.constant 0 : i32
        %dma_wait3A_197 = tpu.memref_slice %arg7[%dma_wait3A_178, %dma_wait3A_195, %dma_wait3A_196] : memref<2x64x128xf32, #tpu.memory_space<vmem>> -> memref<1x64x128xf32, #tpu.memory_space<vmem>>
        %dma_wait3A_198 = tpu.memref_squeeze %dma_wait3A_197 : memref<1x64x128xf32, #tpu.memory_space<vmem>> -> memref<64x128xf32, #tpu.memory_space<vmem>>
        tpu.wait_dma2 semaphore(%dma_wait3A_190 : memref<!tpu.dma_semaphore, #tpu.memory_space<semaphore_mem>>) src(%dma_wait3A_198 : memref<64x128xf32, #tpu.memory_space<vmem>>) dst(%dma_wait3A_194 : memref<64x128xf32, #tpu.memory_space<hbm>>)
      } else {
      }
      %get3A_131 = arith.index_cast %add3A_125 : i32 to index
      %get3A_132 = arith.constant 0 : index
      %get3A_133 = tpu.vector_load %arg6[%get3A_131, %get3A_132] {strides = array<i32>} : memref<50x128xi32, #tpu.memory_space<vmem>>, vector<16xi32>,
      %get3A_134 = arith.index_cast %add3A_125 : i32 to index
      %get3A_135 = arith.constant 16 : index
      %get3A_136 = tpu.vector_load %arg6[%get3A_134, %get3A_135] {strides = array<i32>} : memref<50x128xi32, #tpu.memory_space<vmem>>, vector<16xi32>,
      %get3A_137 = arith.index_cast %add3A_125 : i32 to index
      %get3A_138 = arith.constant 32 : index
      %get3A_139 = tpu.vector_load %arg6[%get3A_137, %get3A_138] {strides = array<i32>} : memref<50x128xi32, #tpu.memory_space<vmem>>, vector<16xi32>,
      %get3A_140 = arith.index_cast %add3A_125 : i32 to index
      %get3A_141 = arith.constant 48 : index
      %get3A_142 = tpu.vector_load %arg6[%get3A_140, %get3A_141] {strides = array<i32>} : memref<50x128xi32, #tpu.memory_space<vmem>>, vector<16xi32>,
      %get3A_143 = arith.index_cast %add3A_125 : i32 to index
      %get3A_144 = arith.constant 64 : index
      %get3A_145 = tpu.vector_load %arg6[%get3A_143, %get3A_144] {strides = array<i32>} : memref<50x128xi32, #tpu.memory_space<vmem>>, vector<16xi32>,
      %get3A_146 = arith.index_cast %add3A_125 : i32 to index
      %get3A_147 = arith.constant 80 : index
      %get3A_148 = tpu.vector_load %arg6[%get3A_146, %get3A_147] {strides = array<i32>} : memref<50x128xi32, #tpu.memory_space<vmem>>, vector<16xi32>,
      %get3A_149 = arith.index_cast %add3A_125 : i32 to index
      %get3A_150 = arith.constant 96 : index
      %get3A_151 = tpu.vector_load %arg6[%get3A_149, %get3A_150] {strides = array<i32>} : memref<50x128xi32, #tpu.memory_space<vmem>>, vector<16xi32>,
      %get3A_152 = arith.index_cast %add3A_125 : i32 to index
      %get3A_153 = arith.constant 112 : index
      %get3A_154 = tpu.vector_load %arg6[%get3A_152, %get3A_153] {strides = array<i32>} : memref<50x128xi32, #tpu.memory_space<vmem>>, vector<16xi32>,
      %parallel_loop3A_155 = arith.constant 0 : i32
      %parallel_loop3A_156 = arith.constant 64 : i32
      %parallel_loop3A_157 = arith.constant 1 : i32
      scf.for %parallel_loop3A_178 = %parallel_loop3A_155 to %parallel_loop3A_156 step %parallel_loop3A_157  : i32 {
        %parallel_loop3A_179 = arith.constant 1500 : i32
        %parallel_loop3A_180 = arith.muli %parallel_loop3A_178, %parallel_loop3A_179 : i32
        %parallel_loop3A_181 = vector.broadcast %parallel_loop3A_180 : i32 to vector<16xi32>
        %parallel_loop3A_182 = arith.addi %get3A_133, %parallel_loop3A_181 : vector<16xi32>
        %parallel_loop3A_183 = tpu.vector_load_idx %arg5[%parallel_loop3A_182] : memref<96000xf32, #tpu.memory_space<vmem>>[vector<16xi32>], vector<16xf32>,
        %parallel_loop3A_184 = arith.constant 1 : i32
        %parallel_loop3A_185 = arith.index_cast %parallel_loop3A_184 : i32 to index
        %parallel_loop3A_186 = arith.index_cast %parallel_loop3A_178 : i32 to index
        %parallel_loop3A_187 = arith.constant 0 : index
        %parallel_loop3A_188 = tpu.vector_load %arg7[%parallel_loop3A_185, %parallel_loop3A_186, %parallel_loop3A_187] {strides = array<i32>} : memref<2x64x128xf32, #tpu.memory_space<vmem>>, vector<16xf32>,
        tpu.vector_store %arg7[%parallel_loop3A_185, %parallel_loop3A_186, %parallel_loop3A_187], %parallel_loop3A_183 {strides = array<i32>} : memref<2x64x128xf32, #tpu.memory_space<vmem>>, vector<16xf32>,
        %parallel_loop3A_189 = arith.constant 1500 : i32
        %parallel_loop3A_190 = arith.muli %parallel_loop3A_178, %parallel_loop3A_189 : i32
        %parallel_loop3A_191 = vector.broadcast %parallel_loop3A_190 : i32 to vector<16xi32>
        %parallel_loop3A_192 = arith.addi %get3A_136, %parallel_loop3A_191 : vector<16xi32>
        %parallel_loop3A_193 = tpu.vector_load_idx %arg5[%parallel_loop3A_192] : memref<96000xf32, #tpu.memory_space<vmem>>[vector<16xi32>], vector<16xf32>,
        %parallel_loop3A_194 = arith.constant 1 : i32
        %parallel_loop3A_195 = arith.index_cast %parallel_loop3A_194 : i32 to index
        %parallel_loop3A_196 = arith.index_cast %parallel_loop3A_178 : i32 to index
        %parallel_loop3A_197 = arith.constant 16 : index
        %parallel_loop3A_198 = tpu.vector_load %arg7[%parallel_loop3A_195, %parallel_loop3A_196, %parallel_loop3A_197] {strides = array<i32>} : memref<2x64x128xf32, #tpu.memory_space<vmem>>, vector<16xf32>,
        tpu.vector_store %arg7[%parallel_loop3A_195, %parallel_loop3A_196, %parallel_loop3A_197], %parallel_loop3A_193 {strides = array<i32>} : memref<2x64x128xf32, #tpu.memory_space<vmem>>, vector<16xf32>,
        %parallel_loop3A_199 = arith.constant 1500 : i32
        %parallel_loop3A_200 = arith.muli %parallel_loop3A_178, %parallel_loop3A_199 : i32
        %parallel_loop3A_201 = vector.broadcast %parallel_loop3A_200 : i32 to vector<16xi32>
        %parallel_loop3A_202 = arith.addi %get3A_139, %parallel_loop3A_201 : vector<16xi32>
        %parallel_loop3A_203 = tpu.vector_load_idx %arg5[%parallel_loop3A_202] : memref<96000xf32, #tpu.memory_space<vmem>>[vector<16xi32>], vector<16xf32>,
        %parallel_loop3A_204 = arith.constant 1 : i32
        %parallel_loop3A_205 = arith.index_cast %parallel_loop3A_204 : i32 to index
        %parallel_loop3A_206 = arith.index_cast %parallel_loop3A_178 : i32 to index
        %parallel_loop3A_207 = arith.constant 32 : index
        %parallel_loop3A_208 = tpu.vector_load %arg7[%parallel_loop3A_205, %parallel_loop3A_206, %parallel_loop3A_207] {strides = array<i32>} : memref<2x64x128xf32, #tpu.memory_space<vmem>>, vector<16xf32>,
        tpu.vector_store %arg7[%parallel_loop3A_205, %parallel_loop3A_206, %parallel_loop3A_207], %parallel_loop3A_203 {strides = array<i32>} : memref<2x64x128xf32, #tpu.memory_space<vmem>>, vector<16xf32>,
        %parallel_loop3A_209 = arith.constant 1500 : i32
        %parallel_loop3A_210 = arith.muli %parallel_loop3A_178, %parallel_loop3A_209 : i32
        %parallel_loop3A_211 = vector.broadcast %parallel_loop3A_210 : i32 to vector<16xi32>
        %parallel_loop3A_212 = arith.addi %get3A_142, %parallel_loop3A_211 : vector<16xi32>
        %parallel_loop3A_213 = tpu.vector_load_idx %arg5[%parallel_loop3A_212] : memref<96000xf32, #tpu.memory_space<vmem>>[vector<16xi32>], vector<16xf32>,
        %parallel_loop3A_214 = arith.constant 1 : i32
        %parallel_loop3A_215 = arith.index_cast %parallel_loop3A_214 : i32 to index
        %parallel_loop3A_216 = arith.index_cast %parallel_loop3A_178 : i32 to index
        %parallel_loop3A_217 = arith.constant 48 : index
        %parallel_loop3A_218 = tpu.vector_load %arg7[%parallel_loop3A_215, %parallel_loop3A_216, %parallel_loop3A_217] {strides = array<i32>} : memref<2x64x128xf32, #tpu.memory_space<vmem>>, vector<16xf32>,
        tpu.vector_store %arg7[%parallel_loop3A_215, %parallel_loop3A_216, %parallel_loop3A_217], %parallel_loop3A_213 {strides = array<i32>} : memref<2x64x128xf32, #tpu.memory_space<vmem>>, vector<16xf32>,
        %parallel_loop3A_219 = arith.constant 1500 : i32
        %parallel_loop3A_220 = arith.muli %parallel_loop3A_178, %parallel_loop3A_219 : i32
        %parallel_loop3A_221 = vector.broadcast %parallel_loop3A_220 : i32 to vector<16xi32>
        %parallel_loop3A_222 = arith.addi %get3A_145, %parallel_loop3A_221 : vector<16xi32>
        %parallel_loop3A_223 = tpu.vector_load_idx %arg5[%parallel_loop3A_222] : memref<96000xf32, #tpu.memory_space<vmem>>[vector<16xi32>], vector<16xf32>,
        %parallel_loop3A_224 = arith.constant 1 : i32
        %parallel_loop3A_225 = arith.index_cast %parallel_loop3A_224 : i32 to index
        %parallel_loop3A_226 = arith.index_cast %parallel_loop3A_178 : i32 to index
        %parallel_loop3A_227 = arith.constant 64 : index
        %parallel_loop3A_228 = tpu.vector_load %arg7[%parallel_loop3A_225, %parallel_loop3A_226, %parallel_loop3A_227] {strides = array<i32>} : memref<2x64x128xf32, #tpu.memory_space<vmem>>, vector<16xf32>,
        tpu.vector_store %arg7[%parallel_loop3A_225, %parallel_loop3A_226, %parallel_loop3A_227], %parallel_loop3A_223 {strides = array<i32>} : memref<2x64x128xf32, #tpu.memory_space<vmem>>, vector<16xf32>,
        %parallel_loop3A_229 = arith.constant 1500 : i32
        %parallel_loop3A_230 = arith.muli %parallel_loop3A_178, %parallel_loop3A_229 : i32
        %parallel_loop3A_231 = vector.broadcast %parallel_loop3A_230 : i32 to vector<16xi32>
        %parallel_loop3A_232 = arith.addi %get3A_148, %parallel_loop3A_231 : vector<16xi32>
        %parallel_loop3A_233 = tpu.vector_load_idx %arg5[%parallel_loop3A_232] : memref<96000xf32, #tpu.memory_space<vmem>>[vector<16xi32>], vector<16xf32>,
        %parallel_loop3A_234 = arith.constant 1 : i32
        %parallel_loop3A_235 = arith.index_cast %parallel_loop3A_234 : i32 to index
        %parallel_loop3A_236 = arith.index_cast %parallel_loop3A_178 : i32 to index
        %parallel_loop3A_237 = arith.constant 80 : index
        %parallel_loop3A_238 = tpu.vector_load %arg7[%parallel_loop3A_235, %parallel_loop3A_236, %parallel_loop3A_237] {strides = array<i32>} : memref<2x64x128xf32, #tpu.memory_space<vmem>>, vector<16xf32>,
        tpu.vector_store %arg7[%parallel_loop3A_235, %parallel_loop3A_236, %parallel_loop3A_237], %parallel_loop3A_233 {strides = array<i32>} : memref<2x64x128xf32, #tpu.memory_space<vmem>>, vector<16xf32>,
        %parallel_loop3A_239 = arith.constant 1500 : i32
        %parallel_loop3A_240 = arith.muli %parallel_loop3A_178, %parallel_loop3A_239 : i32
        %parallel_loop3A_241 = vector.broadcast %parallel_loop3A_240 : i32 to vector<16xi32>
        %parallel_loop3A_242 = arith.addi %get3A_151, %parallel_loop3A_241 : vector<16xi32>
        %parallel_loop3A_243 = tpu.vector_load_idx %arg5[%parallel_loop3A_242] : memref<96000xf32, #tpu.memory_space<vmem>>[vector<16xi32>], vector<16xf32>,
        %parallel_loop3A_244 = arith.constant 1 : i32
        %parallel_loop3A_245 = arith.index_cast %parallel_loop3A_244 : i32 to index
        %parallel_loop3A_246 = arith.index_cast %parallel_loop3A_178 : i32 to index
        %parallel_loop3A_247 = arith.constant 96 : index
        %parallel_loop3A_248 = tpu.vector_load %arg7[%parallel_loop3A_245, %parallel_loop3A_246, %parallel_loop3A_247] {strides = array<i32>} : memref<2x64x128xf32, #tpu.memory_space<vmem>>, vector<16xf32>,
        tpu.vector_store %arg7[%parallel_loop3A_245, %parallel_loop3A_246, %parallel_loop3A_247], %parallel_loop3A_243 {strides = array<i32>} : memref<2x64x128xf32, #tpu.memory_space<vmem>>, vector<16xf32>,
        %parallel_loop3A_249 = arith.constant 1500 : i32
        %parallel_loop3A_250 = arith.muli %parallel_loop3A_178, %parallel_loop3A_249 : i32
        %parallel_loop3A_251 = vector.broadcast %parallel_loop3A_250 : i32 to vector<16xi32>
        %parallel_loop3A_252 = arith.addi %get3A_154, %parallel_loop3A_251 : vector<16xi32>
        %parallel_loop3A_253 = tpu.vector_load_idx %arg5[%parallel_loop3A_252] : memref<96000xf32, #tpu.memory_space<vmem>>[vector<16xi32>], vector<16xf32>,
        %parallel_loop3A_254 = arith.constant 1 : i32
        %parallel_loop3A_255 = arith.index_cast %parallel_loop3A_254 : i32 to index
        %parallel_loop3A_256 = arith.index_cast %parallel_loop3A_178 : i32 to index
        %parallel_loop3A_257 = arith.constant 112 : index
        %parallel_loop3A_258 = tpu.vector_load %arg7[%parallel_loop3A_255, %parallel_loop3A_256, %parallel_loop3A_257] {strides = array<i32>} : memref<2x64x128xf32, #tpu.memory_space<vmem>>, vector<16xf32>,
        tpu.vector_store %arg7[%parallel_loop3A_255, %parallel_loop3A_256, %parallel_loop3A_257], %parallel_loop3A_253 {strides = array<i32>} : memref<2x64x128xf32, #tpu.memory_space<vmem>>, vector<16xf32>,
      } {sc.loop_unroll_factor = 8 : i64, sc.parallel_access}
      %mul3A_158 = arith.constant 128 : i32
      %mul3A_159 = arith.muli %add3A, %mul3A_158 : i32
      %dma_start3A_160 = arith.constant 1 : i32
      %dma_start3A_161 = arith.constant 1 : i32
      %dma_start3A_162 = arith.constant 0 : i32
      %dma_start3A_163 = arith.constant 0 : i32
      %dma_start3A_164 = tpu.memref_slice %arg7[%dma_start3A_160, %dma_start3A_162, %dma_start3A_163] : memref<2x64x128xf32, #tpu.memory_space<vmem>> -> memref<1x64x128xf32, #tpu.memory_space<vmem>>
      %dma_start3A_165 = tpu.memref_squeeze %dma_start3A_164 : memref<1x64x128xf32, #tpu.memory_space<vmem>> -> memref<64x128xf32, #tpu.memory_space<vmem>>
      %dma_start3A_166 = arith.constant 0 : i32
      %dma_start3A_167 = tpu.memref_slice %arg4[%add3A_125, %dma_start3A_166, %mul3A_159] : memref<50x64x4096xf32, #tpu.memory_space<hbm>> -> memref<1x64x128xf32, #tpu.memory_space<hbm>>
      %dma_start3A_168 = tpu.memref_squeeze %dma_start3A_167 : memref<1x64x128xf32, #tpu.memory_space<hbm>> -> memref<64x128xf32, #tpu.memory_space<hbm>>
      %dma_start3A_169 = tpu.memref_slice %arg8[%dma_start3A_161] : memref<2x!tpu.dma_semaphore, #tpu.memory_space<semaphore_mem>> -> memref<1x!tpu.dma_semaphore, #tpu.memory_space<semaphore_mem>>
      %dma_start3A_170 = tpu.memref_squeeze %dma_start3A_169 : memref<1x!tpu.dma_semaphore, #tpu.memory_space<semaphore_mem>> -> memref<!tpu.dma_semaphore, #tpu.memory_space<semaphore_mem>>
      %dma_start3A_171 = arith.constant 0 : i32
      %dma_start3A_172 = tpu.memref_slice %arg4[%add3A_125, %dma_start3A_171, %mul3A_159] : memref<50x64x4096xf32, #tpu.memory_space<hbm>> -> memref<1x64x128xf32, #tpu.memory_space<hbm>>
      %dma_start3A_173 = tpu.memref_squeeze %dma_start3A_172 : memref<1x64x128xf32, #tpu.memory_space<hbm>> -> memref<64x128xf32, #tpu.memory_space<hbm>>
      %dma_start3A_174 = arith.constant 0 : i32
      %dma_start3A_175 = arith.constant 0 : i32
      %dma_start3A_176 = tpu.memref_slice %arg7[%dma_start3A_160, %dma_start3A_174, %dma_start3A_175] : memref<2x64x128xf32, #tpu.memory_space<vmem>> -> memref<1x64x128xf32, #tpu.memory_space<vmem>>
      %dma_start3A_177 = tpu.memref_squeeze %dma_start3A_176 : memref<1x64x128xf32, #tpu.memory_space<vmem>> -> memref<64x128xf32, #tpu.memory_space<vmem>>
      tpu.enqueue_dma source(%dma_start3A_177 : memref<64x128xf32, #tpu.memory_space<vmem>>) target(%dma_start3A_173 : memref<64x128xf32, #tpu.memory_space<hbm>>) target_semaphore(%dma_start3A_170 : memref<!tpu.dma_semaphore, #tpu.memory_space<semaphore_mem>>)
    }
    %scan3A_27 = arith.constant 25 : i32
    %dma_wait3A_28 = arith.constant 0 : i32
    %dma_wait3A_29 = arith.constant 0 : i32
    %dma_wait3A_30 = arith.constant 0 : i32
    %dma_wait3A_31 = arith.constant 0 : i32
    %dma_wait3A_32 = arith.constant 0 : i32
    %dma_wait3A_33 = tpu.memref_slice %arg7[%dma_wait3A_28, %dma_wait3A_31, %dma_wait3A_32] : memref<2x64x128xf32, #tpu.memory_space<vmem>> -> memref<1x64x128xf32, #tpu.memory_space<vmem>>
    %dma_wait3A_34 = tpu.memref_squeeze %dma_wait3A_33 : memref<1x64x128xf32, #tpu.memory_space<vmem>> -> memref<64x128xf32, #tpu.memory_space<vmem>>
    %dma_wait3A_35 = arith.constant 0 : i32
    %dma_wait3A_36 = arith.constant 0 : i32
    %dma_wait3A_37 = tpu.memref_slice %arg4[%dma_wait3A_29, %dma_wait3A_35, %dma_wait3A_36] : memref<50x64x4096xf32, #tpu.memory_space<hbm>> -> memref<1x64x128xf32, #tpu.memory_space<hbm>>
    %dma_wait3A_38 = tpu.memref_squeeze %dma_wait3A_37 : memref<1x64x128xf32, #tpu.memory_space<hbm>> -> memref<64x128xf32, #tpu.memory_space<hbm>>
    %dma_wait3A_39 = tpu.memref_slice %arg8[%dma_wait3A_30] : memref<2x!tpu.dma_semaphore, #tpu.memory_space<semaphore_mem>> -> memref<1x!tpu.dma_semaphore, #tpu.memory_space<semaphore_mem>>
    %dma_wait3A_40 = tpu.memref_squeeze %dma_wait3A_39 : memref<1x!tpu.dma_semaphore, #tpu.memory_space<semaphore_mem>> -> memref<!tpu.dma_semaphore, #tpu.memory_space<semaphore_mem>>
    %dma_wait3A_41 = arith.constant 0 : i32
    %dma_wait3A_42 = arith.constant 0 : i32
    %dma_wait3A_43 = tpu.memref_slice %arg4[%dma_wait3A_29, %dma_wait3A_41, %dma_wait3A_42] : memref<50x64x4096xf32, #tpu.memory_space<hbm>> -> memref<1x64x128xf32, #tpu.memory_space<hbm>>
    %dma_wait3A_44 = tpu.memref_squeeze %dma_wait3A_43 : memref<1x64x128xf32, #tpu.memory_space<hbm>> -> memref<64x128xf32, #tpu.memory_space<hbm>>
    %dma_wait3A_45 = arith.constant 0 : i32
    %dma_wait3A_46 = arith.constant 0 : i32
    %dma_wait3A_47 = tpu.memref_slice %arg7[%dma_wait3A_28, %dma_wait3A_45, %dma_wait3A_46] : memref<2x64x128xf32, #tpu.memory_space<vmem>> -> memref<1x64x128xf32, #tpu.memory_space<vmem>>
    %dma_wait3A_48 = tpu.memref_squeeze %dma_wait3A_47 : memref<1x64x128xf32, #tpu.memory_space<vmem>> -> memref<64x128xf32, #tpu.memory_space<vmem>>
    tpu.wait_dma2 semaphore(%dma_wait3A_40 : memref<!tpu.dma_semaphore, #tpu.memory_space<semaphore_mem>>) src(%dma_wait3A_48 : memref<64x128xf32, #tpu.memory_space<vmem>>) dst(%dma_wait3A_44 : memref<64x128xf32, #tpu.memory_space<hbm>>)
    %dma_wait3A_49 = arith.constant 1 : i32
    %dma_wait3A_50 = arith.constant 0 : i32
    %dma_wait3A_51 = arith.constant 1 : i32
    %dma_wait3A_52 = arith.constant 0 : i32
    %dma_wait3A_53 = arith.constant 0 : i32
    %dma_wait3A_54 = tpu.memref_slice %arg7[%dma_wait3A_49, %dma_wait3A_52, %dma_wait3A_53] : memref<2x64x128xf32, #tpu.memory_space<vmem>> -> memref<1x64x128xf32, #tpu.memory_space<vmem>>
    %dma_wait3A_55 = tpu.memref_squeeze %dma_wait3A_54 : memref<1x64x128xf32, #tpu.memory_space<vmem>> -> memref<64x128xf32, #tpu.memory_space<vmem>>
    %dma_wait3A_56 = arith.constant 0 : i32
    %dma_wait3A_57 = arith.constant 0 : i32
    %dma_wait3A_58 = tpu.memref_slice %arg4[%dma_wait3A_50, %dma_wait3A_56, %dma_wait3A_57] : memref<50x64x4096xf32, #tpu.memory_space<hbm>> -> memref<1x64x128xf32, #tpu.memory_space<hbm>>
    %dma_wait3A_59 = tpu.memref_squeeze %dma_wait3A_58 : memref<1x64x128xf32, #tpu.memory_space<hbm>> -> memref<64x128xf32, #tpu.memory_space<hbm>>
    %dma_wait3A_60 = tpu.memref_slice %arg8[%dma_wait3A_51] : memref<2x!tpu.dma_semaphore, #tpu.memory_space<semaphore_mem>> -> memref<1x!tpu.dma_semaphore, #tpu.memory_space<semaphore_mem>>
    %dma_wait3A_61 = tpu.memref_squeeze %dma_wait3A_60 : memref<1x!tpu.dma_semaphore, #tpu.memory_space<semaphore_mem>> -> memref<!tpu.dma_semaphore, #tpu.memory_space<semaphore_mem>>
    %dma_wait3A_62 = arith.constant 0 : i32
    %dma_wait3A_63 = arith.constant 0 : i32
    %dma_wait3A_64 = tpu.memref_slice %arg4[%dma_wait3A_50, %dma_wait3A_62, %dma_wait3A_63] : memref<50x64x4096xf32, #tpu.memory_space<hbm>> -> memref<1x64x128xf32, #tpu.memory_space<hbm>>
    %dma_wait3A_65 = tpu.memref_squeeze %dma_wait3A_64 : memref<1x64x128xf32, #tpu.memory_space<hbm>> -> memref<64x128xf32, #tpu.memory_space<hbm>>
    %dma_wait3A_66 = arith.constant 0 : i32
    %dma_wait3A_67 = arith.constant 0 : i32
    %dma_wait3A_68 = tpu.memref_slice %arg7[%dma_wait3A_49, %dma_wait3A_66, %dma_wait3A_67] : memref<2x64x128xf32, #tpu.memory_space<vmem>> -> memref<1x64x128xf32, #tpu.memory_space<vmem>>
    %dma_wait3A_69 = tpu.memref_squeeze %dma_wait3A_68 : memref<1x64x128xf32, #tpu.memory_space<vmem>> -> memref<64x128xf32, #tpu.memory_space<vmem>>
    tpu.wait_dma2 semaphore(%dma_wait3A_61 : memref<!tpu.dma_semaphore, #tpu.memory_space<semaphore_mem>>) src(%dma_wait3A_69 : memref<64x128xf32, #tpu.memory_space<vmem>>) dst(%dma_wait3A_65 : memref<64x128xf32, #tpu.memory_space<hbm>>)
    return
  }
}

</mosaic_0001>

<sc_bundles>
// kernel: kernel.3.cloned.1.call-start
scs
__scs_entry_jumppad:
0x0: {  	(pc) =	sbr.rel $0x88, $3  }
0x1: {  	(tag) =	ssettag $0x0;
	lr =	simm.s32 $0x1  }
0x2: {  	[smem:$0x3F9D] =	sst lr;
	_ =	strace $0xD0000000  }
0x3: {  	_ = 	snop  }
0x4: {  	_ = 	snop  }
0x5: {  	_ = 	snop  }
0x6: {  	_ = 	snop  }
0x7: {  	_ = 	snop  }
__scs_overlays_trampoline_lowered:
0x8: {  	[smem:$0x3FAC] =	sst s0  }
0x9: {  	[smem:$0x3FAD] =	sst s1  }
0xa: {  	[smem:$0x3FAE] =	sst s2  }
0xb: {  	[smem:$0x3FAF] =	sst s3  }
0xc: {  	[smem:$0x3FB0] =	sst s4  }
0xd: {  	[smem:$0x3FB1] =	sst s5  }
0xe: {  	[smem:$0x3FB2] =	sst s6  }
0xf: {  	[smem:$0x3FB3] =	sst s7  }
0x10: {  	[smem:$0x3FB4] =	sst s8  }
0x11: {  	[smem:$0x3FB5] =	sst s9;
	s0 =	simm.s32 @!p0 $0x0  }
0x12: {  	s1 =	sld [smem:$0x3F9B];
	s0 =	simm.s32 @p0 $0x1  }
0x13: {  	[smem:$0x3FB6] =	sst s0;
	s0 =	simm.s32 @!p1 $0x0  }
0x14: {  	s2 =	sld [smem:$0x3F9A];
	s0 =	simm.s32 @p1 $0x1  }
0x15: {  	[smem:$0x3FB7] =	sst s0;
	s0 =	simm.s32 @!p2 $0x0  }
0x16: {  	s3 =	sld [smem:$0x3FDB];
	s0 =	simm.s32 @p2 $0x1  }
0x17: {  	s4 =	simm.s32 $0x1BF5;
	[smem:$0x3FB9] =	sst s0  }
0x18: {  	s0 =	sld [smem:$0x3F9C];
	_ =	swait.ge [sflag:s4], $0x0  }
0x19: {  	s7 =	sld [smem:$0x3F9D]  }
0x1a: {  	s8 =	sadd.s32 $0xFFFFE003, lr  }
0x1b: {  	s9 =	sadd.s32 $0xFFFFFEF7, lr;
	s5 =	simm.s32 $0xFFFFFFFF;
	p2 =	slt.u32 s8, $0xFFFFF086  }
0x1c: {  	p1 =	slt.u32 s9, $0xF7A;
	s5 =	simm.s32 @!p2 $0x0  }
0x1d: {  	s5 =	simm.s32 @p1 $0x1;
	p0 =	seq.s32 s7, s2  }
0x1e: {  	s7 =	smul.u32 @!p0 $0xF7A, s2;
	p2 =	seq.s32 @!p0 s5, $0x0  }
0x1f: {  	s9 =	smul.u32 $0xF7A, s1;
	s8 =	simm.s32 @!p0 $0x1BF5;
	p2 =	por !p2, p0  }
0x20: {  	[sflag:s8] =	ssyncset.s32 @!p0 $0xFFFFF086;
	s6 =	sadd.s32 @!p0 s3, s7;
	s7 =	simm.s32 @!p0 $0x108  }
0x21: {  	s3 =	sadd.s32 s3, s9;
	s6 =	sadd.s32 @!p0 $0x88, s6;
	s7 =	simm.s32 @p2 $0x1082  }
0x22: {  	[simem:s7], [sflag:s8] =	dma.local @!p0 [hbm:s6], $0xF7A  }
0x23: {  	s9 =	sor.u32 $0xD0000000, s2;
	s6 =	simm.s32 $0x108;
	_ =	swait.ge @!p0 [sflag:s8], $0x0  }
0x24: {  	s3 =	sadd.s32 $0x88, s3;
	s6 =	simm.s32 @!p1 $0x1082;
	[sflag:s4] =	ssyncset.s32 $0xFFFFF086  }
0x25: {  	[simem:s6], [sflag:s4] =	dma.local [hbm:s3], $0xF7A  }
0x26: {  	[smem:$0x3F9D] =	sst s1;
	(tag) =	ssettag s2;
	_ =	strace s9  }
0x27: {  	s1 =	sld [smem:$0x3FAD]  }
0x28: {  	s2 =	sld [smem:$0x3FAE]  }
0x29: {  	s4 =	sld [smem:$0x3FB0]  }
0x2a: {  	p0 =	seq.s32 s5, $0x0;
	s5 =	sld [smem:$0x3FB1]  }
0x2b: {  	s6 =	sld [smem:$0x3FB2]  }
0x2c: {  	s7 =	sld [smem:$0x3FB3]  }
0x2d: {  	s3 =	simm.s32 $0x108;
	s8 =	sld [smem:$0x3FB4]  }
0x2e: {  	s3 =	simm.s32 @!p0 $0x1082;
	s9 =	sld [smem:$0x3FB5]  }
0x2f: {  	lr =	sadd.s32 s0, s3;
	s0 =	sld [smem:$0x3FAC]  }
0x30: {  	s3 =	sld [smem:$0x3FAF]  }
0x31: {  	[smem:$0x3FB8] =	sst s10  }
0x32: {  	s10 =	sld [smem:$0x3FB6];
	_ =	sdelay $0x3  }
0x33: {  	p0 =	seq.s32 s10, $0x1;
	s10 =	sld [smem:$0x3FB8];
	_ =	sdelay $0x3  }
0x34: {  	[smem:$0x3FB8] =	sst s10  }
0x35: {  	s10 =	sld [smem:$0x3FB7];
	_ =	sdelay $0x3  }
0x36: {  	p1 =	seq.s32 s10, $0x1;
	s10 =	sld [smem:$0x3FB8];
	_ =	sdelay $0x3  }
0x37: {  	[smem:$0x3FB8] =	sst s10  }
0x38: {  	s10 =	sld [smem:$0x3FB9]  }
0x39: {  	_ = 	snop;
	(pc) =	sbr.ind lr, $3  }
0x3a: {  	_ = 	snop  }
0x3b: {  	_ = 	snop  }
0x3c: {  	p2 =	seq.s32 s10, $0x1;
	s10 =	sld [smem:$0x3FB8]  }
0x3d: {  	_ =	shalt  }
0x3e: {  	_ =	shalt  }
0x3f: {  	_ =	shalt  }
0x40: {  	_ =	shalt  }
0x41: {  	_ =	shalt  }
0x42: {  	_ =	shalt  }
0x43: {  	_ =	shalt  }
0x44: {  	_ =	shalt  }
0x45: {  	_ =	shalt  }
0x46: {  	_ =	shalt  }
0x47: {  	_ =	shalt  }
0x48: {  	_ =	shalt  }
0x49: {  	_ =	shalt  }
0x4a: {  	_ =	shalt  }
0x4b: {  	_ =	shalt  }
0x4c: {  	_ =	shalt  }
0x4d: {  	_ =	shalt  }
0x4e: {  	_ =	shalt  }
0x4f: {  	_ =	shalt  }
0x50: {  	_ =	shalt  }
0x51: {  	_ =	shalt  }
0x52: {  	_ =	shalt  }
0x53: {  	_ =	shalt  }
0x54: {  	_ =	shalt  }
0x55: {  	_ =	shalt  }
0x56: {  	_ =	shalt  }
0x57: {  	_ =	shalt  }
0x58: {  	_ =	shalt  }
0x59: {  	_ =	shalt  }
0x5a: {  	_ =	shalt  }
0x5b: {  	_ =	shalt  }
0x5c: {  	_ =	shalt  }
0x5d: {  	_ =	shalt  }
0x5e: {  	_ =	shalt  }
0x5f: {  	_ =	shalt  }
0x60: {  	_ =	shalt  }
0x61: {  	_ =	shalt  }
0x62: {  	_ =	shalt  }
0x63: {  	_ =	shalt  }
0x64: {  	_ =	shalt  }
0x65: {  	_ =	shalt  }
0x66: {  	_ =	shalt  }
0x67: {  	_ =	shalt  }
0x68: {  	_ =	shalt  }
0x69: {  	_ =	shalt  }
0x6a: {  	_ =	shalt  }
0x6b: {  	_ =	shalt  }
0x6c: {  	_ =	shalt  }
0x6d: {  	_ =	shalt  }
0x6e: {  	_ =	shalt  }
0x6f: {  	_ =	shalt  }
0x70: {  	_ =	shalt  }
0x71: {  	_ =	shalt  }
0x72: {  	_ =	shalt  }
0x73: {  	_ =	shalt  }
0x74: {  	_ =	shalt  }
0x75: {  	_ =	shalt  }
0x76: {  	_ =	shalt  }
0x77: {  	_ =	shalt  }
0x78: {  	_ =	shalt  }
0x79: {  	_ =	shalt  }
0x7a: {  	_ =	shalt  }
0x7b: {  	_ =	shalt  }
0x7c: {  	_ =	shalt  }
0x7d: {  	_ =	shalt  }
0x7e: {  	_ =	shalt  }
0x7f: {  	_ =	shalt  }
0x80: {  	_ =	shalt  }
0x81: {  	_ =	shalt  }
0x82: {  	_ =	shalt  }
0x83: {  	_ =	shalt  }
0x84: {  	_ =	shalt  }
0x85: {  	_ =	shalt  }
0x86: {  	_ =	shalt  }
0x87: {  	_ =	shalt  }
.Lfunc_end0:
.L_simem_size_0:
called_computation_lowered:
.L_overlay_start_0:
0x88: {  	s2 =	sld [smem:$0x3FD9]  }
0x89: {  	s3 =	sld [smem:$0x3FFE];
	_ =	sdelay $0x1  }
0x8a: {  	s1 =	srdreg.scid  }
0x8b: {  	s0 =	sand.u32 $0x1, s1  }
0x8c: {  	s17 =	sshll.u32 s0, $0xA;
	s2 =	sadd.s32 s3, s2  }
0x8d: {  	s2 =	sadd.s32 s2, s17  }
0x8e: {  	[smem:$0x3FC4] =	sst s2  }
0x8f: {  	_ = 	snop  }
0x90: {  	s2 =	sld [smem:$0x3FC9]  }
0x91: {  	s18 =	sld [smem:$0x3FD0];
	(tm) =	ssettm $0x1  }
0x92: {  	s4 =	sld [smem:$0x3FFB];
	_ =	sdelay $0x3  }
0x93: {  	_ =	strace s4  }
0x94: {  	s4 =	sld [smem:$0x3FFC];
	_ =	sdelay $0x3  }
0x95: {  	_ =	strace s4  }
0x96: {  	s4 =	sld [smem:$0x3FFD];
	_ =	sdelay $0x3  }
0x97: {  	_ =	strace s4  }
0x98: {  	_ =	strace $0x8FFFFFFF  }
0x99: {  	s19 =	sld [smem:$0x3FDB];
	_ =	sdelay $0x1  }
0x9a: {  	s5 =	simm.s32 $_scs_section_size  }
0x9b: {  	s6 =	simm.s32 $_size__tile_overlayer_lowered;
	s7 =	simm.s32 $_tile_overlayer_lowered  }
0x9c: {  	s22 =	simm.s32 $0x1BFF;
	s21 =	sshll.u32 s7, $0x1;
	s4 =	sadd.s32 s5, s19  }
0x9d: {  	s8 =	simm.s32 $0x0;
	s20 =	sshll.u32 s6, $0x1;
	s6 =	sadd.s32 s21, s4  }
0x9e: {  	[timem:s8], [sflag:s22] =	dma.local [hbm:s6], s20  }
0x9f: {  	_ =	swait.ge [sflag:s22], s20  }
0xa0: {  	s5 =	ssub.s32 $0x0, s20;
	[sflag:s22] =	ssyncset.done $0x0  }
0xa1: {  	[sflag:s22] =	ssyncadd.s32 s5;
	_ =	sdelay $0x1  }
0xa2: {  	s23 =	simm.s32 $0x1B8B  }
0xa3: {  	_ =	swait.ge [sflag:s23], $0x1  }
0xa4: {  	[sflag:s23] =	ssyncset.done $0x0  }
0xa5: {  	s25 =	simm.s32 $0x1B8E;
	s24 =	sld [smem:$0x3FFE];
	[sflag:s23] =	ssyncadd.s32 $0xFFFFFFFF  }
0xa6: {  	s26 =	simm.s32 $execute0_lowered;
	[smem:$0x3FD2] =	sst s25  }
0xa7: {  	s6 =	sshll.u32 s26, $0x1;
	_ =	strace $0x80000046;
	[dreg:$0x1] =	wrdreg $0xFFFFFFFF  }
0xa8: {  	s28 =	simm.s32 $_size_execute0_lowered;
	s4 =	sadd.s32 s4, s6;
	[dreg:$0x0] =	wrdreg $0x0  }
0xa9: {  	s6 =	sshll.u32 s28, $0x1;
	[dreg:$0x2] =	wrdreg s4  }
0xaa: {  	[dreg:$0x3] =	wrdreg s6  }
0xab: {  	[dreg:$0x4] =	wrdreg $0xC0  }
0xac: {  	_ =	task [dreg:s8], $0x5FFFF  }
0xad: {  	[dreg:$0x1] =	wrdreg $0xFFFFFFFF  }
0xae: {  	[dreg:$0x0] =	wrdreg $0x60  }
0xaf: {  	[dreg:$0x2] =	wrdreg s24  }
0xb0: {  	[dreg:$0x3] =	wrdreg s2  }
0xb1: {  	[dreg:$0x4] =	wrdreg s18  }
0xb2: {  	[dreg:$0x5] =	wrdreg $0x9  }
0xb3: {  	_ =	task.clear_ibuf [dreg:s8], $0x6FFFF;
	_ =	strace $0x90000046  }
0xb4: {  	s29 =	simm.s32 $0x9;
	_ =	strace $0x80000048  }
0xb5: {  	_ =	swait.ge [sflag:s29], $0x1  }
0xb6: {  	[sflag:s29] =	ssyncadd.s32 $0xFFFFFFFF  }
0xb7: {  	_ =	strace $0x90000048  }
0xb8: {  	_ =	sfence  }
0xb9: {  	s30 =	sld [smem:$0x0];
	_ =	sdelay $0x2  }
0xba: {  	s31 =	sshll.u32 s1, $0xD;
	s1 =	sshrl.u32 s1, $0x2  }
0xbb: {  	s3 =	sand.u32 $0x4000, s31;
	s1 =	sadd.s32 s1, s30  }
0xbc: {  	s0 =	sor.u32 s3, s0;
	s1 =	sshll.u32 s1, $0x11  }
0xbd: {  	s0 =	sor.u32 s1, s0  }
0xbe: {  	s0 =	sadd.s32 $0x8F2B, s0  }
0xbf: {  	[sflag:s0] =	ssyncadd.remote.s32 $0x1  }
0xc0: {  	_ =	sfence.sel $0xFFFF  }
0xc1: {  	[dreg:$0x0] =	wrdreg $0xFFFFFFFF;
	(pc) =	sbr.abs _section_cstart, $3  }
0xc2: {  	[dreg:$0x1] =	wrdreg $0xFFFFFFFF  }
0xc3: {  	_ =	task.clear_ibuf [dreg:s8], $0x2FFFF;
	_ =	strace $0x9FFFFFFF  }
0xc4: {  	(tm) =	ssettm $0x7FFFFFFF  }
0xc5: {  	_ =	shalt  }
tec
execute0_lowered:
.L_overlay_start_1:
0x0: {  	(tag) =	ssettag $0x1  }
0x1: {  	s0 =	rddreg [dreg:$0x0];
	s1 =	srdreg.scid  }
0x2: {  	s5 =	rddreg [dreg:$0x1];
	s3 =	stileid.u32  }
0x3: {  	s2 =	rddreg [dreg:$0x2];
	s9 =	simm.s32 $0x400;
	s10 =	simm.s32 $0x8000  }
0x4: {  	s13 =	simm.s32 $0x3;
	s14 =	simm.s32 $0x4;
	s15 =	simm.s32 $0x19300  }
0x5: {  	s16 =	simm.s32 $0x1B300;
	s17 =	simm.s32 $0x1;
	s1 =	sand.u32 $0x1, s1  }
0x6: {  	s18 =	simm.s32 $0x2;
	s4 =	sshll.u32 s3, $0xB;
	s6 =	sshll.u32 s1, $0xA  }
0x7: {  	s3 =	simm.s32 $0x0;
	s0 =	sadd.s32 $0x400, s0;
	s4 =	sor.u32 s6, s4  }
0x8: {  	[smem:$0x7FF] =	sst s3;
	s1 =	ssub.s32 $0x2, s1;
	s6 =	sshrl.u32 s4, $0x3  }
0x9: {  	_ =	strace $0x80000047;
	s7 =	sshrl.u32 s1, $0x1;
	s5 =	sadd.s32 s5, s6  }
0xa: {  	[dreg:$0x4] =	wrdreg s0;
	s30 =	ssub.s32 s1, s7;
	s31 =	sadd.s32 $0x6000, s5  }
0xb: {  	s19 =	simm.s32 $0x0;
	s8 =	smax.u32 s30, $0x1;
	[dreg:$0x5] =	wrdreg s31  }
.LBB2_1:
0xc: {  	s0 =	rddreg [dreg:$0x4]  }
0xd: {  	[tilespmem:s3], [sflag:$0x3] =	stream.linear.gather [hbm4b:s0+s3], $0x17700, $0x38;
	[tilespmem:$0x1D300] =	vst v63  }
0xe: {  	s30 =	simm.s32 $0x17700  }
0xf: {  	[tilespmem:s30], [sflag:$0x4] =	stream.strided.gather [hbm4b:s5+s9], $0x1800, s10, s9, $0x38;
	[tilespmem:$0x1D300] =	vst v63  }
0x10: {  	s31 =	rddreg [dreg:$0x5];
	s1 =	simm.s32 $0x18F00  }
0x11: {  	[tilespmem:s1], [sflag:$0x4] =	stream.linear.gather [hbm4b:s31+s3], $0x100, $0x38;
	[tilespmem:$0x1D300] =	vst v63  }
0x12: {  	_ =	swait.ge [sflag:s13], $0x17700  }
0x13: {  	[sflag:s13] =	ssyncset.done $0x0  }
0x14: {  	[sflag:s13] =	ssyncadd.s32 $0xFFFE8900  }
0x15: {  	_ =	swait.ge [sflag:s14], $0x1900  }
0x16: {  	[sflag:s14] =	ssyncset.done $0x0  }
0x17: {  	s20 =	simm.s32 $0x0;
	[sflag:s14] =	ssyncadd.s32 $0xFFFFE700  }
.LBB2_2:
0x18: {  	p0 =	seq.s32 s20, $0x0  }
0x19: {  	s0 =	simm.s32 @!p0 $0x1  }
0x1a: {  	_ =	swait.ge @!p0 [sflag:s0], $0x2000  }
0x1b: {  	s1 =	sshll.u32 s20, $0x8;
	[sflag:s0] =	ssyncset.done @!p0 $0x0  }
0x1c: {  	s24 =	sand.u32 $0x3FFFFF00, s1;
	[sflag:s0] =	ssyncadd.s32 @!p0 $0xFFFFE000  }
0x1d: {  	v1 =	vld [tilespmem:s24+$0x17700];
	_ =	sdelay $0x1  }
0x1e: {  	v2 =	vld [tilespmem:s24+$0x17710]  }
0x1f: {  	v3 =	vld [tilespmem:s24+$0x17720]  }
0x20: {  	s23 =	simm.s32 $0x5DC;
	v4 =	vld [tilespmem:s24+$0x17730]  }
0x21: {  	s25 =	simm.s32 $0x1770;
	v5 =	vld [tilespmem:s24+$0x17740];
	v8 =	vadd.s32 s23, v1  }
0x22: {  	s22 =	simm.s32 $0x2904;
	v7 =	vld [tilespmem:s24+$0x17750];
	v9 =	vadd.s32 s25, v1  }
0x23: {  	s11 =	simm.s32 $0x1194;
	v6 =	vld [tilespmem:s24+$0x17760];
	v10 =	vadd.s32 s22, v1  }
0x24: {  	s26 =	simm.s32 $0x1D4C;
	v0 =	vld [tilespmem:s24+$0x17770];
	v11 =	vadd.s32 s11, v1  }
0x25: {  	s31 =	simm.s32 $0xBB8;
	v12 =	vadd.s32 s26, v1;
	v13 =	vld.idx.msk [tilespmem:v1+s3+$0x0], $0xffff  }
0x26: {  	s24 =	simm.s32 $0x2328;
	v14 =	vadd.s32 s31, v1;
	v8 =	vld.idx.msk [tilespmem:v8+s3+$0x0], $0xffff  }
0x27: {  	v18 =	vadd.s32 s24, v1;
	v9 =	vld.idx.msk [tilespmem:v9+s3+$0x0], $0xffff  }
0x28: {  	v10 =	vld.idx.msk [tilespmem:v10+s3+$0x0], $0xffff  }
0x29: {  	v15 =	vadd.s32 s25, v2;
	v11 =	vld.idx.msk [tilespmem:v11+s3+$0x0], $0xffff  }
0x2a: {  	s21 =	simm.s32 $0x19500;
	v16 =	vadd.s32 s23, v2;
	v12 =	vld.idx.msk [tilespmem:v12+s3+$0x0], $0xffff  }
0x2b: {  	v17 =	vadd.s32 s11, v2;
	v14 =	vld.idx.msk [tilespmem:v14+s3+$0x0], $0xffff;
	[tilespmem:s21+$0xFFFFFE00] =	vst v13  }
0x2c: {  	v18 =	vld.idx.msk [tilespmem:v18+s3+$0x0], $0xffff;
	v13 =	vadd.s32 s26, v2;
	[tilespmem:s21+$0x0] =	vst v9  }
0x2d: {  	v19 =	vld.idx.msk [tilespmem:v2+s3+$0x0], $0xffff;
	v9 =	vadd.s32 s22, v2;
	[tilespmem:s21+$0xFFFFFE80] =	vst v8  }
0x2e: {  	[tilespmem:s21+$0xFFFFFF80] =	vst v11;
	v11 =	vadd.s32 s31, v2;
	v8 =	vld.idx.msk [tilespmem:v15+s3+$0x0], $0xffff  }
0x2f: {  	[tilespmem:s21+$0x80] =	vst v12;
	v15 =	vld.idx.msk [tilespmem:v16+s3+$0x0], $0xffff;
	v16 =	vadd.s32 s25, v3  }
0x30: {  	[tilespmem:s21+$0x180] =	vst v10;
	v12 =	vld.idx.msk [tilespmem:v17+s3+$0x0], $0xffff  }
0x31: {  	[tilespmem:s21+$0xFFFFFF00] =	vst v14;
	v17 =	vadd.s32 s11, v3;
	v13 =	vld.idx.msk [tilespmem:v13+s3+$0x0], $0xffff  }
0x32: {  	v10 =	vadd.s32 s26, v3;
	[tilespmem:s21+$0x100] =	vst v18;
	v9 =	vld.idx.msk [tilespmem:v9+s3+$0x0], $0xffff  }
0x33: {  	v11 =	vld.idx.msk [tilespmem:v11+s3+$0x0], $0xffff;
	[tilespmem:s21+$0x10] =	vst v8;
	v8 =	vadd.s32 s24, v2  }
0x34: {  	[tilespmem:s21+$0xFFFFFE10] =	vst v19;
	v14 =	vld.idx.msk [tilespmem:v16+s3+$0x0], $0xffff;
	v16 =	vadd.s32 s31, v3  }
0x35: {  	v19 =	vld.idx.msk [tilespmem:v3+s3+$0x0], $0xffff;
	[tilespmem:s21+$0xFFFFFF90] =	vst v12;
	v12 =	vadd.s32 s25, v4  }
0x36: {  	[tilespmem:s21+$0x90] =	vst v13;
	v13 =	vld.idx.msk [tilespmem:v17+s3+$0x0], $0xffff  }
0x37: {  	[tilespmem:s21+$0xFFFFFE90] =	vst v15;
	v17 =	vadd.s32 s11, v4;
	v10 =	vld.idx.msk [tilespmem:v10+s3+$0x0], $0xffff  }
0x38: {  	v18 =	vadd.s32 s26, v4;
	[tilespmem:s21+$0xFFFFFF10] =	vst v11;
	v8 =	vld.idx.msk [tilespmem:v8+s3+$0x0], $0xffff  }
0x39: {  	v20 =	vadd.s32 s23, v3;
	[tilespmem:s21+$0x20] =	vst v14;
	v14 =	vld.idx.msk [tilespmem:v16+s3+$0x0], $0xffff  }
0x3a: {  	[tilespmem:s21+$0xFFFFFE20] =	vst v19;
	v11 =	vld.idx.msk [tilespmem:v12+s3+$0x0], $0xffff;
	v12 =	vadd.s32 s24, v3  }
0x3b: {  	v21 =	vld.idx.msk [tilespmem:v4+s3+$0x0], $0xffff;
	[tilespmem:s21+$0xFFFFFFA0] =	vst v13;
	v13 =	vadd.s32 s31, v4  }
0x3c: {  	v16 =	vld.idx.msk [tilespmem:v17+s3+$0x0], $0xffff;
	[tilespmem:s21+$0xA0] =	vst v10;
	v10 =	vadd.s32 s25, v5  }
0x3d: {  	[tilespmem:s21+$0x190] =	vst v9;
	v17 =	vadd.s32 s22, v3;
	v15 =	vld.idx.msk [tilespmem:v18+s3+$0x0], $0xffff  }
0x3e: {  	v18 =	vadd.s32 s11, v5;
	[tilespmem:s21+$0x110] =	vst v8;
	v8 =	vld.idx.msk [tilespmem:v20+s3+$0x0], $0xffff  }
0x3f: {  	[tilespmem:s21+$0xFFFFFF20] =	vst v14;
	v14 =	vadd.s32 s26, v5;
	v12 =	vld.idx.msk [tilespmem:v12+s3+$0x0], $0xffff  }
0x40: {  	v9 =	vadd.s32 s23, v4;
	v13 =	vld.idx.msk [tilespmem:v13+s3+$0x0], $0xffff;
	[tilespmem:s21+$0x30] =	vst v11  }
0x41: {  	v11 =	vadd.s32 s24, v4;
	v10 =	vld.idx.msk [tilespmem:v10+s3+$0x0], $0xffff  }
0x42: {  	v19 =	vadd.s32 s31, v5;
	[tilespmem:s21+$0xFFFFFFB0] =	vst v16;
	v16 =	vld.idx.msk [tilespmem:v17+s3+$0x0], $0xffff  }
0x43: {  	v17 =	vld.idx.msk [tilespmem:v18+s3+$0x0], $0xffff;
	v18 =	vadd.s32 s25, v7;
	[tilespmem:s21+$0xB0] =	vst v15  }
0x44: {  	[tilespmem:s21+$0xFFFFFEA0] =	vst v8;
	v8 =	vadd.s32 s11, v7;
	v14 =	vld.idx.msk [tilespmem:v14+s3+$0x0], $0xffff  }
0x45: {  	v9 =	vld.idx.msk [tilespmem:v9+s3+$0x0], $0xffff;
	[tilespmem:s21+$0x120] =	vst v12;
	v12 =	vadd.s32 s22, v4  }
0x46: {  	[tilespmem:s21+$0xFFFFFF30] =	vst v13;
	v13 =	vadd.s32 s26, v7;
	v11 =	vld.idx.msk [tilespmem:v11+s3+$0x0], $0xffff  }
0x47: {  	v15 =	vld.idx.msk [tilespmem:v19+s3+$0x0], $0xffff;
	[tilespmem:s21+$0x40] =	vst v10;
	v19 =	vadd.s32 s23, v5  }
0x48: {  	v10 =	vadd.s32 s24, v5;
	v18 =	vld.idx.msk [tilespmem:v18+s3+$0x0], $0xffff;
	[tilespmem:s21+$0xFFFFFFC0] =	vst v17  }
0x49: {  	[tilespmem:s21+$0x1A0] =	vst v16;
	v16 =	vadd.s32 s31, v7;
	v8 =	vld.idx.msk [tilespmem:v8+s3+$0x0], $0xffff  }
0x4a: {  	v17 =	vadd.s32 s25, v6;
	[tilespmem:s21+$0xC0] =	vst v14;
	v12 =	vld.idx.msk [tilespmem:v12+s3+$0x0], $0xffff  }
0x4b: {  	[tilespmem:s21+$0xFFFFFEB0] =	vst v9;
	v9 =	vadd.s32 s11, v6;
	v13 =	vld.idx.msk [tilespmem:v13+s3+$0x0], $0xffff  }
0x4c: {  	[tilespmem:s21+$0x130] =	vst v11;
	v11 =	vadd.s32 s22, v5;
	v14 =	vld.idx.msk [tilespmem:v19+s3+$0x0], $0xffff  }
0x4d: {  	[tilespmem:s21+$0xFFFFFF40] =	vst v15;
	v15 =	vadd.s32 s26, v6;
	v10 =	vld.idx.msk [tilespmem:v10+s3+$0x0], $0xffff  }
0x4e: {  	v19 =	vadd.s32 s23, v7;
	v16 =	vld.idx.msk [tilespmem:v16+s3+$0x0], $0xffff;
	[tilespmem:s21+$0x50] =	vst v18  }
0x4f: {  	v18 =	vadd.s32 s24, v7;
	v17 =	vld.idx.msk [tilespmem:v17+s3+$0x0], $0xffff;
	[tilespmem:s21+$0xFFFFFFD0] =	vst v8  }
0x50: {  	v20 =	vadd.s32 s31, v6;
	v23 =	vld.idx.msk [tilespmem:v9+s3+$0x0], $0xffff;
	[tilespmem:s21+$0x1B0] =	vst v12  }
0x51: {  	v25 =	vadd.s32 s25, v0;
	[tilespmem:s21+$0xD0] =	vst v13;
	v22 =	vld.idx.msk [tilespmem:v11+s3+$0x0], $0xffff  }
0x52: {  	v31 =	vadd.s32 s22, v7;
	v37 =	vld.idx.msk [tilespmem:v15+s3+$0x0], $0xffff;
	[tilespmem:s21+$0xFFFFFEC0] =	vst v14;
	v14 =	vadd.s32 s11, v0  }
0x53: {  	s30 =	simm.s32 $0x0;
	v33 =	vadd.s32 s26, v0;
	v27 =	vadd.s32 s22, v6;
	v8 =	vadd.s32 $0x2EE0, v1;
	[tilespmem:s21+$0x140] =	vst v10;
	v26 =	vld.idx.msk [tilespmem:v19+s3+$0x0], $0xffff  }
0x54: {  	v29 =	vadd.s32 s31, v0;
	v9 =	vadd.s32 $0x2EE0, v2;
	v35 =	vadd.s32 s30, v8;
	[tilespmem:s21+$0xFFFFFF50] =	vst v16;
	v24 =	vld.idx.msk [tilespmem:v18+s3+$0x0], $0xffff  }
0x55: {  	v12 =	vadd.s32 $0x2EE0, v4;
	v13 =	vadd.s32 $0x2EE0, v5;
	v15 =	vadd.s32 $0x2EE0, v7;
	v30 =	vld.idx.msk [tilespmem:v20+s3+$0x0], $0xffff;
	[tilespmem:s21+$0x60] =	vst v17;
	v20 =	vmovc v5  }
0x56: {  	v11 =	vadd.s32 s23, v6;
	v36 =	vadd.s32 s30, v13;
	v10 =	vadd.s32 $0x2EE0, v3;
	v28 =	vld.idx.msk [tilespmem:v25+s3+$0x0], $0xffff;
	[tilespmem:s21+$0xFFFFFFE0] =	vst v23  }
0x57: {  	s28 =	simm.s32 $0x2EE0;
	v16 =	vadd.s32 $0x2EE0, v6;
	v32 =	vadd.s32 s30, v15;
	v17 =	vadd.s32 $0x2EE0, v0;
	[tilespmem:s21+$0x1C0] =	vst v22;
	v34 =	vld.idx.msk [tilespmem:v14+s3+$0x0], $0xffff  }
0x58: {  	s29 =	simm.s32 $0x19900;
	s25 =	sshll.u32 s20, $0x1;
	s26 =	simm.s32 $0x0;
	v19 =	vmovc v7;
	v18 =	vmovc v6;
	v25 =	vadd.s32 s30, v16;
	v22 =	vadd.s32 s30, v17;
	[tilespmem:s21+$0xE0] =	vst v37;
	v14 =	vmov v0;
	v31 =	vld.idx.msk [tilespmem:v31+s3+$0x0], $0xffff  }
.LBB2_3:
0x59: {  	s6 =	sadd.s32 $0x5DC, s28;
	s0 =	sadd.s32 $0x1770, s28;
	s12 =	sadd.s32 $0x2328, s28;
	v37 =	vadd.s32 s30, v9;
	v38 =	vadd.s32 s30, v10;
	v23 =	vadd.s32 s30, v12;
	[tilespmem:s21+$0xFFFFFE30] =	vst v21;
	v21 =	vld.idx.msk [tilespmem:v33+s3+$0x0], $0xffff  }
0x5a: {  	s31 =	sadd.s32 $0xBB8, s28;
	s1 =	sadd.s32 $0x1D4C, s28;
	s7 =	sadd.s32 $0x2904, s28;
	v33 =	vadd.s32 s6, v1;
	v39 =	vadd.s32 s0, v1;
	v40 =	vadd.s32 s12, v1;
	v41 =	vld.idx.msk [tilespmem:v20+s3+$0x0], $0xffff;
	v20 =	vmovc v36  }
0x5b: {  	s11 =	sadd.s32 $0x1194, s28;
	s26 =	sadd.s32 $0x8, s26;
	s30 =	smov.u32 s28;
	v36 =	vadd.s32 s31, v1;
	v42 =	vadd.s32 s1, v1;
	v43 =	vadd.s32 s7, v1;
	[tilespmem:s21+$0xFFFFFF60] =	vst v30  }
0x5c: {  	v44 =	vadd.s32 s11, v1;
	p1 =	slt.u32 s26, $0x38;
	v30 =	vadd.s32 s6, v6;
	v29 =	vld.idx.msk [tilespmem:v29+s3+$0x0], $0xffff;
	[tilespmem:s21+$0x70] =	vst v28  }
0x5d: {  	v28 =	vld.idx.msk [tilespmem:v35+s3+$0x0], $0xffff;
	[tilespmem:s21+$0xFFFFFED0] =	vst v26  }
0x5e: {  	v26 =	vld.idx.msk [tilespmem:v11+s3+$0x0], $0xffff;
	[tilespmem:s21+$0xFFFFFFF0] =	vst v34;
	v11 =	vmov v30  }
0x5f: {  	v30 =	vld.idx.msk [tilespmem:v33+s3+$0x0], $0xffff;
	[tilespmem:s21+$0x1D0] =	vst v31  }
0x60: {  	v31 =	vadd.s32 s23, v0;
	s23 =	smov.u32 s6;
	[tilespmem:s21+$0xFFFFFE40] =	vst v41;
	v27 =	vld.idx.msk [tilespmem:v27+s3+$0x0], $0xffff  }
0x61: {  	v33 =	vadd.s32 s23, v2;
	v34 =	vld.idx.msk [tilespmem:v43+s3+$0x0], $0xffff;
	[tilespmem:s21+$0xF0] =	vst v21  }
0x62: {  	v35 =	vadd.s32 s7, v2;
	v21 =	vld.idx.msk [tilespmem:v39+s3+$0x0], $0xffff;
	[tilespmem:s21+$0xFFFFFF70] =	vst v29  }
0x63: {  	[tilespmem:s29+$0xFFFFFE00] =	vst v28;
	v28 =	vadd.s32 s0, v2;
	v29 =	vld.idx.msk [tilespmem:v19+s3+$0x0], $0xffff;
	v19 =	vmov v32  }
0x64: {  	v39 =	vadd.s32 s1, v2;
	v32 =	vld.idx.msk [tilespmem:v44+s3+$0x0], $0xffff;
	[tilespmem:s21+$0xFFFFFEE0] =	vst v26  }
0x65: {  	[tilespmem:s29+$0xFFFFFE80] =	vst v30;
	v26 =	vld.idx.msk [tilespmem:v31+s3+$0x0], $0xffff  }
0x66: {  	v30 =	vadd.s32 s31, v2;
	v31 =	vld.idx.msk [tilespmem:v42+s3+$0x0], $0xffff;
	[tilespmem:s21+$0x1E0] =	vst v27  }
0x67: {  	v27 =	vld.idx.msk [tilespmem:v36+s3+$0x0], $0xffff;
	v36 =	vadd.s32 s11, v2;
	[tilespmem:s29+$0x180] =	vst v34;
	v34 =	vadd.s32 s22, v0;
	s22 =	smov.u32 s7  }
0x68: {  	v41 =	vadd.s32 s23, v3;
	v37 =	vld.idx.msk [tilespmem:v37+s3+$0x0], $0xffff;
	[tilespmem:s29+$0x0] =	vst v21  }
0x69: {  	v21 =	vld.idx.msk [tilespmem:v33+s3+$0x0], $0xffff;
	v33 =	vadd.s32 s22, v3;
	[tilespmem:s21+$0xFFFFFE50] =	vst v29  }
0x6a: {  	v29 =	vadd.s32 s0, v3;
	v28 =	vld.idx.msk [tilespmem:v28+s3+$0x0], $0xffff;
	[tilespmem:s21+$0x150] =	vst v24  }
0x6b: {  	v24 =	vadd.s32 s1, v3;
	v40 =	vld.idx.msk [tilespmem:v40+s3+$0x0], $0xffff;
	[tilespmem:s21+$0xFFFFFEF0] =	vst v26  }
0x6c: {  	v26 =	vadd.s32 s12, v2;
	[tilespmem:s29+$0x80] =	vst v31;
	v31 =	vadd.s32 s24, v6;
	v34 =	vld.idx.msk [tilespmem:v34+s3+$0x0], $0xffff  }
0x6d: {  	v42 =	vadd.s32 s31, v3;
	[tilespmem:s29+$0xFFFFFF80] =	vst v32;
	v32 =	vld.idx.msk [tilespmem:v39+s3+$0x0], $0xffff  }
0x6e: {  	[tilespmem:s29+$0xFFFFFE10] =	vst v37;
	v36 =	vld.idx.msk [tilespmem:v36+s3+$0x0], $0xffff;
	v37 =	vadd.s32 s11, v3  }
0x6f: {  	[tilespmem:s29+$0xFFFFFE90] =	vst v21;
	v21 =	vld.idx.msk [tilespmem:v35+s3+$0x0], $0xffff  }
0x70: {  	v35 =	vld.idx.msk [tilespmem:v38+s3+$0x0], $0xffff;
	[tilespmem:s29+$0x10] =	vst v28  }
0x71: {  	[tilespmem:s29+$0x100] =	vst v40;
	v28 =	vld.idx.msk [tilespmem:v31+s3+$0x0], $0xffff  }
0x72: {  	[tilespmem:s29+$0xFFFFFF00] =	vst v27;
	v27 =	vld.idx.msk [tilespmem:v29+s3+$0x0], $0xffff  }
0x73: {  	v29 =	vld.idx.msk [tilespmem:v30+s3+$0x0], $0xffff;
	[tilespmem:s29+$0x90] =	vst v32;
	v30 =	vadd.s32 s24, v0;
	s24 =	smov.u32 s12  }
0x74: {  	v31 =	vadd.s32 s0, v4;
	[tilespmem:s29+$0xFFFFFF90] =	vst v36;
	v32 =	vld.idx.msk [tilespmem:v18+s3+$0x0], $0xffff;
	v18 =	vmov v25  }
0x75: {  	v25 =	vld.idx.msk [tilespmem:v37+s3+$0x0], $0xffff;
	[tilespmem:s29+$0x190] =	vst v21  }
0x76: {  	[tilespmem:s29+$0xFFFFFE20] =	vst v35;
	v21 =	vld.idx.msk [tilespmem:v24+s3+$0x0], $0xffff  }
0x77: {  	v24 =	vadd.s32 s11, v4;
	v26 =	vld.idx.msk [tilespmem:v26+s3+$0x0], $0xffff;
	[tilespmem:s21+$0x160] =	vst v28  }
0x78: {  	[tilespmem:s29+$0x20] =	vst v27;
	v27 =	vadd.s32 s1, v4;
	v28 =	vld.idx.msk [tilespmem:v30+s3+$0x0], $0xffff  }
0x79: {  	[tilespmem:s29+$0xFFFFFF10] =	vst v29;
	v29 =	vld.idx.msk [tilespmem:v31+s3+$0x0], $0xffff  }
0x7a: {  	v31 =	vadd.s32 s24, v3;
	v30 =	vld.idx.msk [tilespmem:v42+s3+$0x0], $0xffff;
	[tilespmem:s21+$0xFFFFFE60] =	vst v32  }
0x7b: {  	[tilespmem:s29+$0xFFFFFFA0] =	vst v25;
	v25 =	vld.idx.msk [tilespmem:v14+s3+$0x0], $0xffff;
	v14 =	vmov v22  }
0x7c: {  	v22 =	vadd.s32 s31, v4;
	v24 =	vld.idx.msk [tilespmem:v24+s3+$0x0], $0xffff;
	[tilespmem:s29+$0xA0] =	vst v21  }
0x7d: {  	v32 =	vadd.s32 s0, v5;
	v27 =	vld.idx.msk [tilespmem:v27+s3+$0x0], $0xffff;
	[tilespmem:s29+$0x110] =	vst v26  }
0x7e: {  	v26 =	vld.idx.msk [tilespmem:v41+s3+$0x0], $0xffff;
	[tilespmem:s21+$0x170] =	vst v28  }
0x7f: {  	v28 =	vadd.s32 s11, v5;
	v31 =	vld.idx.msk [tilespmem:v31+s3+$0x0], $0xffff;
	[tilespmem:s21+$0x1F0] =	vst v34  }
0x80: {  	v21 =	vld.idx.msk [tilespmem:v23+s3+$0x0], $0xffff;
	[tilespmem:s29+$0xFFFFFF20] =	vst v30;
	v23 =	vadd.s32 s1, v5  }
0x81: {  	v22 =	vld.idx.msk [tilespmem:v22+s3+$0x0], $0xffff;
	[tilespmem:s29+$0x30] =	vst v29;
	v29 =	vadd.s32 s24, v4  }
0x82: {  	v30 =	vadd.s32 s23, v4;
	v32 =	vld.idx.msk [tilespmem:v32+s3+$0x0], $0xffff;
	[tilespmem:s21+$0xFFFFFE70] =	vst v25;
	s21 =	smov.u32 s29  }
0x83: {  	v25 =	vadd.s32 s31, v5;
	[tilespmem:s29+$0xFFFFFFB0] =	vst v24;
	v24 =	vld.idx.msk [tilespmem:v33+s3+$0x0], $0xffff  }
0x84: {  	v33 =	vadd.s32 s0, v7;
	v28 =	vld.idx.msk [tilespmem:v28+s3+$0x0], $0xffff;
	[tilespmem:s29+$0xB0] =	vst v27  }
0x85: {  	v27 =	vadd.s32 s22, v4;
	v23 =	vld.idx.msk [tilespmem:v23+s3+$0x0], $0xffff;
	[tilespmem:s29+$0x120] =	vst v31  }
0x86: {  	[tilespmem:s29+$0xFFFFFEA0] =	vst v26;
	v26 =	vadd.s32 s11, v7;
	v29 =	vld.idx.msk [tilespmem:v29+s3+$0x0], $0xffff  }
0x87: {  	v30 =	vld.idx.msk [tilespmem:v30+s3+$0x0], $0xffff;
	[tilespmem:s29+$0xFFFFFF30] =	vst v22;
	v22 =	vadd.s32 s1, v7  }
0x88: {  	v31 =	vadd.s32 s24, v5;
	v25 =	vld.idx.msk [tilespmem:v25+s3+$0x0], $0xffff;
	[tilespmem:s29+$0x40] =	vst v32  }
0x89: {  	v32 =	vadd.s32 s23, v5;
	v33 =	vld.idx.msk [tilespmem:v33+s3+$0x0], $0xffff;
	[tilespmem:s29+$0x1A0] =	vst v24  }
0x8a: {  	v24 =	vadd.s32 s31, v7;
	[tilespmem:s29+$0xFFFFFFC0] =	vst v28;
	v27 =	vld.idx.msk [tilespmem:v27+s3+$0x0], $0xffff  }
0x8b: {  	v28 =	vadd.s32 s0, v6;
	v26 =	vld.idx.msk [tilespmem:v26+s3+$0x0], $0xffff;
	[tilespmem:s29+$0xC0] =	vst v23  }
0x8c: {  	v23 =	vadd.s32 s22, v5;
	v22 =	vld.idx.msk [tilespmem:v22+s3+$0x0], $0xffff;
	[tilespmem:s29+$0x130] =	vst v29  }
0x8d: {  	v29 =	vadd.s32 s11, v6;
	[tilespmem:s29+$0xFFFFFEB0] =	vst v30;
	v30 =	vld.idx.msk [tilespmem:v31+s3+$0x0], $0xffff  }
0x8e: {  	v31 =	vld.idx.msk [tilespmem:v32+s3+$0x0], $0xffff;
	[tilespmem:s29+$0xFFFFFF40] =	vst v25;
	v25 =	vadd.s32 s1, v6  }
0x8f: {  	v32 =	vld.idx.msk [tilespmem:v24+s3+$0x0], $0xffff;
	[tilespmem:s29+$0x50] =	vst v33;
	v24 =	vadd.s32 s24, v7  }
0x90: {  	v33 =	vadd.s32 s23, v7;
	v28 =	vld.idx.msk [tilespmem:v28+s3+$0x0], $0xffff;
	[tilespmem:s29+$0x1B0] =	vst v27  }
0x91: {  	v27 =	vadd.s32 s31, v6;
	[tilespmem:s29+$0xFFFFFFD0] =	vst v26;
	v23 =	vld.idx.msk [tilespmem:v23+s3+$0x0], $0xffff  }
0x92: {  	v34 =	vld.idx.msk [tilespmem:v29+s3+$0x0], $0xffff;
	v29 =	vadd.s32 s0, v0;
	[tilespmem:s29+$0xD0] =	vst v22  }
0x93: {  	v35 =	vadd.s32 s22, v7;
	v37 =	vld.idx.msk [tilespmem:v25+s3+$0x0], $0xffff;
	[tilespmem:s29+$0x140] =	vst v30  }
0x94: {  	v38 =	vadd.s32 s11, v0;
	[tilespmem:s29+$0xFFFFFEC0] =	vst v31;
	v24 =	vld.idx.msk [tilespmem:v24+s3+$0x0], $0xffff  }
.Ltmp0:
0x95: {  	v26 =	vld.idx.msk [tilespmem:v33+s3+$0x0], $0xffff;
	[tilespmem:s29+$0xFFFFFF50] =	vst v32;
	v33 =	vadd.s32 s1, v0;
	(pc) =	sbr.rel @p1 .LBB2_3-.Ltmp0, $4  }
0x96: {  	v30 =	vld.idx.msk [tilespmem:v27+s3+$0x0], $0xffff;
	[tilespmem:s29+$0x60] =	vst v28  }
0x97: {  	v27 =	vadd.s32 s22, v6;
	v28 =	vld.idx.msk [tilespmem:v29+s3+$0x0], $0xffff;
	[tilespmem:s29+$0x1C0] =	vst v23  }
0x98: {  	v22 =	vadd.s32 s28, v17;
	v25 =	vadd.s32 s28, v16;
	v29 =	vadd.s32 s31, v0;
	[tilespmem:s29+$0xFFFFFFE0] =	vst v34;
	v31 =	vld.idx.msk [tilespmem:v35+s3+$0x0], $0xffff  }
0x99: {  	v36 =	vadd.s32 s30, v13;
	s28 =	sadd.s32 $0x2EE0, s28;
	v32 =	vadd.s32 s30, v15;
	v35 =	vadd.s32 s30, v8;
	s29 =	sadd.s32 $0x400, s29;
	v34 =	vld.idx.msk [tilespmem:v38+s3+$0x0], $0xffff;
	[tilespmem:s21+$0xE0] =	vst v37  }
0x9a: {  	_ =	sdelay $0x2  }
0x9b: {  	[tilespmem:s21+$0xFFFFFE30] =	vst v21  }
0x9c: {  	v1 =	vld.idx.msk [tilespmem:v20+s3+$0x0], $0xffff;
	_ =	sdelay $0x4  }
0x9d: {  	[tilespmem:s21+$0xFFFFFE40] =	vst v1;
	v1 =	vadd.s32 s24, v6  }
0x9e: {  	v2 =	vld.idx.msk [tilespmem:v19+s3+$0x0], $0xffff  }
0x9f: {  	[tilespmem:s21+$0xFFFFFED0] =	vst v26  }
0xa0: {  	[tilespmem:s21+$0x150] =	vst v24  }
0xa1: {  	[tilespmem:s21+$0xFFFFFF60] =	vst v30;
	v3 =	vld.idx.msk [tilespmem:v11+s3+$0x0], $0xffff  }
0xa2: {  	v4 =	vadd.s32 s23, v0;
	[tilespmem:s21+$0x1D0] =	vst v31;
	v1 =	vld.idx.msk [tilespmem:v1+s3+$0x0], $0xffff  }
0xa3: {  	v5 =	vld.idx.msk [tilespmem:v27+s3+$0x0], $0xffff;
	[tilespmem:s21+$0xFFFFFE50] =	vst v2;
	v2 =	vadd.s32 s24, v0  }
0xa4: {  	[tilespmem:s21+$0x70] =	vst v28;
	v0 =	vadd.s32 s22, v0;
	v6 =	vld.idx.msk [tilespmem:v18+s3+$0x0], $0xffff  }
0xa5: {  	v7 =	vld.idx.msk [tilespmem:v33+s3+$0x0], $0xffff;
	[tilespmem:s21+$0xFFFFFFF0] =	vst v34  }
0xa6: {  	v8 =	vld.idx.msk [tilespmem:v29+s3+$0x0], $0xffff;
	[tilespmem:s21+$0xFFFFFEE0] =	vst v3  }
0xa7: {  	v3 =	vld.idx.msk [tilespmem:v4+s3+$0x0], $0xffff;
	[tilespmem:s21+$0x160] =	vst v1  }
0xa8: {  	[tilespmem:s21+$0x1E0] =	vst v5;
	v1 =	vld.idx.msk [tilespmem:v2+s3+$0x0], $0xffff  }
0xa9: {  	v0 =	vld.idx.msk [tilespmem:v0+s3+$0x0], $0xffff;
	[tilespmem:s21+$0xFFFFFE60] =	vst v6  }
0xaa: {  	[tilespmem:s21+$0xF0] =	vst v7;
	v2 =	vld.idx.msk [tilespmem:v14+s3+$0x0], $0xffff  }
0xab: {  	[tilespmem:s21+$0xFFFFFF70] =	vst v8  }
0xac: {  	s0 =	sshll.u32 s20, $0x13;
	[tilespmem:s21+$0xFFFFFEF0] =	vst v3  }
0xad: {  	s0 =	sor.u32 s4, s0;
	[tilespmem:s21+$0x170] =	vst v1  }
0xae: {  	s0 =	sshrl.u32 s0, $0x3;
	[tilespmem:s21+$0x1F0] =	vst v0  }
0xaf: {  	s0 =	sadd.s32 s2, s0;
	[tilespmem:s21+$0xFFFFFE70] =	vst v2  }
0xb0: {  	[hbm4b:s0+s9] =	stream.strided.scatter [tilespmem:s15], [sflag:$0x1], $0x2000, s10, s9, $0x38;
	[tilespmem:$0x1D300] =	vst v63  }
0xb1: {  	s0 =	simm.s32 @!p0 $0x2  }
0xb2: {  	s21 =	sor.u32 $0x1, s25;
	_ =	swait.ge @!p0 [sflag:s0], $0x2000  }
0xb3: {  	s1 =	sshll.u32 s21, $0x7;
	[sflag:s0] =	ssyncset.done @!p0 $0x0  }
0xb4: {  	s7 =	sand.u32 $0x3FFFFF80, s1;
	[sflag:s0] =	ssyncadd.s32 @!p0 $0xFFFFE000  }
0xb5: {  	v1 =	vld [tilespmem:s7+$0x17700];
	_ =	sdelay $0x1  }
0xb6: {  	v2 =	vld [tilespmem:s7+$0x17710]  }
0xb7: {  	v3 =	vld [tilespmem:s7+$0x17720]  }
0xb8: {  	s24 =	simm.s32 $0x5DC;
	v4 =	vld [tilespmem:s7+$0x17730]  }
0xb9: {  	s26 =	simm.s32 $0x1770;
	v5 =	vld [tilespmem:s7+$0x17740];
	v8 =	vadd.s32 s24, v1  }
0xba: {  	s23 =	simm.s32 $0x2904;
	v7 =	vld [tilespmem:s7+$0x17750];
	v9 =	vadd.s32 s26, v1  }
0xbb: {  	s11 =	simm.s32 $0x1194;
	v6 =	vld [tilespmem:s7+$0x17760];
	v10 =	vadd.s32 s23, v1  }
0xbc: {  	s12 =	simm.s32 $0x1D4C;
	v0 =	vld [tilespmem:s7+$0x17770];
	v11 =	vadd.s32 s11, v1  }
0xbd: {  	s31 =	simm.s32 $0xBB8;
	v12 =	vadd.s32 s12, v1;
	v13 =	vld.idx.msk [tilespmem:v1+s3+$0x0], $0xffff  }
0xbe: {  	s25 =	simm.s32 $0x2328;
	v14 =	vadd.s32 s31, v1;
	v8 =	vld.idx.msk [tilespmem:v8+s3+$0x0], $0xffff  }
0xbf: {  	v18 =	vadd.s32 s25, v1;
	v9 =	vld.idx.msk [tilespmem:v9+s3+$0x0], $0xffff  }
0xc0: {  	v10 =	vld.idx.msk [tilespmem:v10+s3+$0x0], $0xffff  }
0xc1: {  	v15 =	vadd.s32 s26, v2;
	v11 =	vld.idx.msk [tilespmem:v11+s3+$0x0], $0xffff  }
0xc2: {  	s22 =	simm.s32 $0x1B6F0;
	v16 =	vadd.s32 s24, v2;
	v12 =	vld.idx.msk [tilespmem:v12+s3+$0x0], $0xffff  }
0xc3: {  	v17 =	vadd.s32 s11, v2;
	v14 =	vld.idx.msk [tilespmem:v14+s3+$0x0], $0xffff;
	[tilespmem:s22+$0xFFFFFC10] =	vst v13  }
0xc4: {  	v18 =	vld.idx.msk [tilespmem:v18+s3+$0x0], $0xffff;
	v13 =	vadd.s32 s12, v2;
	[tilespmem:s22+$0xFFFFFE10] =	vst v9  }
0xc5: {  	v19 =	vld.idx.msk [tilespmem:v2+s3+$0x0], $0xffff;
	v9 =	vadd.s32 s23, v2;
	[tilespmem:s22+$0xFFFFFC90] =	vst v8  }
0xc6: {  	[tilespmem:s22+$0xFFFFFD90] =	vst v11;
	v11 =	vadd.s32 s31, v2;
	v8 =	vld.idx.msk [tilespmem:v15+s3+$0x0], $0xffff  }
0xc7: {  	[tilespmem:s22+$0xFFFFFE90] =	vst v12;
	v15 =	vld.idx.msk [tilespmem:v16+s3+$0x0], $0xffff;
	v16 =	vadd.s32 s26, v3  }
0xc8: {  	[tilespmem:s22+$0xFFFFFF90] =	vst v10;
	v12 =	vld.idx.msk [tilespmem:v17+s3+$0x0], $0xffff  }
0xc9: {  	[tilespmem:s22+$0xFFFFFD10] =	vst v14;
	v17 =	vadd.s32 s11, v3;
	v13 =	vld.idx.msk [tilespmem:v13+s3+$0x0], $0xffff  }
0xca: {  	v10 =	vadd.s32 s12, v3;
	[tilespmem:s22+$0xFFFFFF10] =	vst v18;
	v9 =	vld.idx.msk [tilespmem:v9+s3+$0x0], $0xffff  }
0xcb: {  	v11 =	vld.idx.msk [tilespmem:v11+s3+$0x0], $0xffff;
	[tilespmem:s22+$0xFFFFFE20] =	vst v8;
	v8 =	vadd.s32 s25, v2  }
0xcc: {  	[tilespmem:s22+$0xFFFFFC20] =	vst v19;
	v14 =	vld.idx.msk [tilespmem:v16+s3+$0x0], $0xffff;
	v16 =	vadd.s32 s31, v3  }
0xcd: {  	v19 =	vld.idx.msk [tilespmem:v3+s3+$0x0], $0xffff;
	[tilespmem:s22+$0xFFFFFDA0] =	vst v12;
	v12 =	vadd.s32 s26, v4  }
0xce: {  	[tilespmem:s22+$0xFFFFFEA0] =	vst v13;
	v13 =	vld.idx.msk [tilespmem:v17+s3+$0x0], $0xffff  }
0xcf: {  	[tilespmem:s22+$0xFFFFFCA0] =	vst v15;
	v17 =	vadd.s32 s11, v4;
	v10 =	vld.idx.msk [tilespmem:v10+s3+$0x0], $0xffff  }
0xd0: {  	v18 =	vadd.s32 s12, v4;
	[tilespmem:s22+$0xFFFFFD20] =	vst v11;
	v8 =	vld.idx.msk [tilespmem:v8+s3+$0x0], $0xffff  }
0xd1: {  	v20 =	vadd.s32 s24, v3;
	[tilespmem:s22+$0xFFFFFE30] =	vst v14;
	v14 =	vld.idx.msk [tilespmem:v16+s3+$0x0], $0xffff  }
0xd2: {  	[tilespmem:s22+$0xFFFFFC30] =	vst v19;
	v11 =	vld.idx.msk [tilespmem:v12+s3+$0x0], $0xffff;
	v12 =	vadd.s32 s25, v3  }
0xd3: {  	v21 =	vld.idx.msk [tilespmem:v4+s3+$0x0], $0xffff;
	[tilespmem:s22+$0xFFFFFDB0] =	vst v13;
	v13 =	vadd.s32 s31, v4  }
0xd4: {  	v16 =	vld.idx.msk [tilespmem:v17+s3+$0x0], $0xffff;
	[tilespmem:s22+$0xFFFFFEB0] =	vst v10;
	v10 =	vadd.s32 s26, v5  }
0xd5: {  	[tilespmem:s22+$0xFFFFFFA0] =	vst v9;
	v17 =	vadd.s32 s23, v3;
	v15 =	vld.idx.msk [tilespmem:v18+s3+$0x0], $0xffff  }
0xd6: {  	v18 =	vadd.s32 s11, v5;
	[tilespmem:s22+$0xFFFFFF20] =	vst v8;
	v8 =	vld.idx.msk [tilespmem:v20+s3+$0x0], $0xffff  }
0xd7: {  	[tilespmem:s22+$0xFFFFFD30] =	vst v14;
	v14 =	vadd.s32 s12, v5;
	v12 =	vld.idx.msk [tilespmem:v12+s3+$0x0], $0xffff  }
0xd8: {  	v9 =	vadd.s32 s24, v4;
	v13 =	vld.idx.msk [tilespmem:v13+s3+$0x0], $0xffff;
	[tilespmem:s22+$0xFFFFFE40] =	vst v11  }
0xd9: {  	v11 =	vadd.s32 s25, v4;
	v10 =	vld.idx.msk [tilespmem:v10+s3+$0x0], $0xffff  }
0xda: {  	v19 =	vadd.s32 s31, v5;
	[tilespmem:s22+$0xFFFFFDC0] =	vst v16;
	v16 =	vld.idx.msk [tilespmem:v17+s3+$0x0], $0xffff  }
0xdb: {  	v17 =	vld.idx.msk [tilespmem:v18+s3+$0x0], $0xffff;
	v18 =	vadd.s32 s26, v7;
	[tilespmem:s22+$0xFFFFFEC0] =	vst v15  }
0xdc: {  	[tilespmem:s22+$0xFFFFFCB0] =	vst v8;
	v8 =	vadd.s32 s11, v7;
	v14 =	vld.idx.msk [tilespmem:v14+s3+$0x0], $0xffff  }
0xdd: {  	v9 =	vld.idx.msk [tilespmem:v9+s3+$0x0], $0xffff;
	[tilespmem:s22+$0xFFFFFF30] =	vst v12;
	v12 =	vadd.s32 s23, v4  }
0xde: {  	[tilespmem:s22+$0xFFFFFD40] =	vst v13;
	v13 =	vadd.s32 s12, v7;
	v11 =	vld.idx.msk [tilespmem:v11+s3+$0x0], $0xffff  }
0xdf: {  	v15 =	vld.idx.msk [tilespmem:v19+s3+$0x0], $0xffff;
	[tilespmem:s22+$0xFFFFFE50] =	vst v10;
	v19 =	vadd.s32 s24, v5  }
0xe0: {  	v10 =	vadd.s32 s25, v5;
	v18 =	vld.idx.msk [tilespmem:v18+s3+$0x0], $0xffff;
	[tilespmem:s22+$0xFFFFFDD0] =	vst v17  }
0xe1: {  	[tilespmem:s22+$0xFFFFFFB0] =	vst v16;
	v16 =	vadd.s32 s31, v7;
	v8 =	vld.idx.msk [tilespmem:v8+s3+$0x0], $0xffff  }
0xe2: {  	v17 =	vadd.s32 s26, v6;
	[tilespmem:s22+$0xFFFFFED0] =	vst v14;
	v12 =	vld.idx.msk [tilespmem:v12+s3+$0x0], $0xffff  }
0xe3: {  	[tilespmem:s22+$0xFFFFFCC0] =	vst v9;
	v9 =	vadd.s32 s11, v6;
	v13 =	vld.idx.msk [tilespmem:v13+s3+$0x0], $0xffff  }
0xe4: {  	[tilespmem:s22+$0xFFFFFF40] =	vst v11;
	v11 =	vadd.s32 s23, v5;
	v14 =	vld.idx.msk [tilespmem:v19+s3+$0x0], $0xffff  }
0xe5: {  	[tilespmem:s22+$0xFFFFFD50] =	vst v15;
	v15 =	vadd.s32 s12, v6;
	v10 =	vld.idx.msk [tilespmem:v10+s3+$0x0], $0xffff  }
0xe6: {  	v19 =	vadd.s32 s24, v7;
	v16 =	vld.idx.msk [tilespmem:v16+s3+$0x0], $0xffff;
	[tilespmem:s22+$0xFFFFFE60] =	vst v18  }
0xe7: {  	v18 =	vadd.s32 s25, v7;
	v17 =	vld.idx.msk [tilespmem:v17+s3+$0x0], $0xffff;
	[tilespmem:s22+$0xFFFFFDE0] =	vst v8  }
0xe8: {  	v20 =	vadd.s32 s31, v6;
	v23 =	vld.idx.msk [tilespmem:v9+s3+$0x0], $0xffff;
	[tilespmem:s22+$0xFFFFFFC0] =	vst v12  }
0xe9: {  	v25 =	vadd.s32 s26, v0;
	[tilespmem:s22+$0xFFFFFEE0] =	vst v13;
	v22 =	vld.idx.msk [tilespmem:v11+s3+$0x0], $0xffff  }
0xea: {  	v31 =	vadd.s32 s23, v7;
	v37 =	vld.idx.msk [tilespmem:v15+s3+$0x0], $0xffff;
	[tilespmem:s22+$0xFFFFFCD0] =	vst v14;
	v14 =	vadd.s32 s11, v0  }
0xeb: {  	s30 =	simm.s32 $0x0;
	v33 =	vadd.s32 s12, v0;
	v27 =	vadd.s32 s23, v6;
	v8 =	vadd.s32 $0x2EE0, v1;
	[tilespmem:s22+$0xFFFFFF50] =	vst v10;
	v26 =	vld.idx.msk [tilespmem:v19+s3+$0x0], $0xffff  }
0xec: {  	v29 =	vadd.s32 s31, v0;
	v9 =	vadd.s32 $0x2EE0, v2;
	v35 =	vadd.s32 s30, v8;
	[tilespmem:s22+$0xFFFFFD60] =	vst v16;
	v24 =	vld.idx.msk [tilespmem:v18+s3+$0x0], $0xffff  }
0xed: {  	v12 =	vadd.s32 $0x2EE0, v4;
	v13 =	vadd.s32 $0x2EE0, v5;
	v15 =	vadd.s32 $0x2EE0, v7;
	v30 =	vld.idx.msk [tilespmem:v20+s3+$0x0], $0xffff;
	[tilespmem:s22+$0xFFFFFE70] =	vst v17;
	v20 =	vmovc v5  }
0xee: {  	v11 =	vadd.s32 s24, v6;
	v36 =	vadd.s32 s30, v13;
	v10 =	vadd.s32 $0x2EE0, v3;
	v28 =	vld.idx.msk [tilespmem:v25+s3+$0x0], $0xffff;
	[tilespmem:s22+$0xFFFFFDF0] =	vst v23  }
0xef: {  	v16 =	vadd.s32 $0x2EE0, v6;
	v32 =	vadd.s32 s30, v15;
	v17 =	vadd.s32 $0x2EE0, v0;
	[tilespmem:s22+$0xFFFFFFD0] =	vst v22;
	v34 =	vld.idx.msk [tilespmem:v14+s3+$0x0], $0xffff  }
0xf0: {  	s28 =	simm.s32 $0x2EE0;
	s29 =	simm.s32 $0x1BAF0;
	s26 =	simm.s32 $0x0;
	v19 =	vmovc v7;
	v18 =	vmovc v6;
	v25 =	vadd.s32 s30, v16;
	v22 =	vadd.s32 s30, v17;
	[tilespmem:s22+$0xFFFFFEF0] =	vst v37;
	v14 =	vmov v0;
	v31 =	vld.idx.msk [tilespmem:v31+s3+$0x0], $0xffff  }
.LBB2_5:
0xf1: {  	s6 =	sadd.s32 $0x5DC, s28;
	s0 =	sadd.s32 $0x1770, s28;
	s12 =	sadd.s32 $0x2328, s28;
	v37 =	vadd.s32 s30, v9;
	v38 =	vadd.s32 s30, v10;
	v23 =	vadd.s32 s30, v12;
	[tilespmem:s22+$0xFFFFFC40] =	vst v21;
	v21 =	vld.idx.msk [tilespmem:v33+s3+$0x0], $0xffff  }
0xf2: {  	s31 =	sadd.s32 $0xBB8, s28;
	s1 =	sadd.s32 $0x1D4C, s28;
	s7 =	sadd.s32 $0x2904, s28;
	v33 =	vadd.s32 s6, v1;
	v39 =	vadd.s32 s0, v1;
	v40 =	vadd.s32 s12, v1;
	v41 =	vld.idx.msk [tilespmem:v20+s3+$0x0], $0xffff;
	v20 =	vmovc v36  }
0xf3: {  	s11 =	sadd.s32 $0x1194, s28;
	s26 =	sadd.s32 $0x8, s26;
	s30 =	smov.u32 s28;
	v36 =	vadd.s32 s31, v1;
	v42 =	vadd.s32 s1, v1;
	v43 =	vadd.s32 s7, v1;
	[tilespmem:s22+$0xFFFFFD70] =	vst v30  }
0xf4: {  	v44 =	vadd.s32 s11, v1;
	p0 =	slt.u32 s26, $0x38;
	v30 =	vadd.s32 s6, v6;
	v29 =	vld.idx.msk [tilespmem:v29+s3+$0x0], $0xffff;
	[tilespmem:s22+$0xFFFFFE80] =	vst v28  }
0xf5: {  	v28 =	vld.idx.msk [tilespmem:v35+s3+$0x0], $0xffff;
	[tilespmem:s22+$0xFFFFFCE0] =	vst v26  }
0xf6: {  	v26 =	vld.idx.msk [tilespmem:v11+s3+$0x0], $0xffff;
	[tilespmem:s22+$0xFFFFFE00] =	vst v34;
	v11 =	vmov v30  }
0xf7: {  	v30 =	vld.idx.msk [tilespmem:v33+s3+$0x0], $0xffff;
	[tilespmem:s22+$0xFFFFFFE0] =	vst v31  }
0xf8: {  	v31 =	vadd.s32 s24, v0;
	s24 =	smov.u32 s6;
	[tilespmem:s22+$0xFFFFFC50] =	vst v41;
	v27 =	vld.idx.msk [tilespmem:v27+s3+$0x0], $0xffff  }
0xf9: {  	v33 =	vadd.s32 s24, v2;
	v34 =	vld.idx.msk [tilespmem:v43+s3+$0x0], $0xffff;
	[tilespmem:s22+$0xFFFFFF00] =	vst v21  }
0xfa: {  	v35 =	vadd.s32 s7, v2;
	v21 =	vld.idx.msk [tilespmem:v39+s3+$0x0], $0xffff;
	[tilespmem:s22+$0xFFFFFD80] =	vst v29  }
0xfb: {  	[tilespmem:s29+$0xFFFFFC10] =	vst v28;
	v28 =	vadd.s32 s0, v2;
	v29 =	vld.idx.msk [tilespmem:v19+s3+$0x0], $0xffff;
	v19 =	vmov v32  }
0xfc: {  	v39 =	vadd.s32 s1, v2;
	v32 =	vld.idx.msk [tilespmem:v44+s3+$0x0], $0xffff;
	[tilespmem:s22+$0xFFFFFCF0] =	vst v26  }
0xfd: {  	[tilespmem:s29+$0xFFFFFC90] =	vst v30;
	v26 =	vld.idx.msk [tilespmem:v31+s3+$0x0], $0xffff  }
0xfe: {  	v30 =	vadd.s32 s31, v2;
	v31 =	vld.idx.msk [tilespmem:v42+s3+$0x0], $0xffff;
	[tilespmem:s22+$0xFFFFFFF0] =	vst v27  }
0xff: {  	v27 =	vld.idx.msk [tilespmem:v36+s3+$0x0], $0xffff;
	v36 =	vadd.s32 s11, v2;
	[tilespmem:s29+$0xFFFFFF90] =	vst v34;
	v34 =	vadd.s32 s23, v0;
	s23 =	smov.u32 s7  }
0x100: {  	v41 =	vadd.s32 s24, v3;
	v37 =	vld.idx.msk [tilespmem:v37+s3+$0x0], $0xffff;
	[tilespmem:s29+$0xFFFFFE10] =	vst v21  }
0x101: {  	v21 =	vld.idx.msk [tilespmem:v33+s3+$0x0], $0xffff;
	v33 =	vadd.s32 s23, v3;
	[tilespmem:s22+$0xFFFFFC60] =	vst v29  }
0x102: {  	v29 =	vadd.s32 s0, v3;
	v28 =	vld.idx.msk [tilespmem:v28+s3+$0x0], $0xffff;
	[tilespmem:s22+$0xFFFFFF60] =	vst v24  }
0x103: {  	v24 =	vadd.s32 s1, v3;
	v40 =	vld.idx.msk [tilespmem:v40+s3+$0x0], $0xffff;
	[tilespmem:s22+$0xFFFFFD00] =	vst v26  }
0x104: {  	v26 =	vadd.s32 s12, v2;
	[tilespmem:s29+$0xFFFFFE90] =	vst v31;
	v31 =	vadd.s32 s25, v6;
	v34 =	vld.idx.msk [tilespmem:v34+s3+$0x0], $0xffff  }
0x105: {  	v42 =	vadd.s32 s31, v3;
	[tilespmem:s29+$0xFFFFFD90] =	vst v32;
	v32 =	vld.idx.msk [tilespmem:v39+s3+$0x0], $0xffff  }
0x106: {  	[tilespmem:s29+$0xFFFFFC20] =	vst v37;
	v36 =	vld.idx.msk [tilespmem:v36+s3+$0x0], $0xffff;
	v37 =	vadd.s32 s11, v3  }
0x107: {  	[tilespmem:s29+$0xFFFFFCA0] =	vst v21;
	v21 =	vld.idx.msk [tilespmem:v35+s3+$0x0], $0xffff  }
0x108: {  	v35 =	vld.idx.msk [tilespmem:v38+s3+$0x0], $0xffff;
	[tilespmem:s29+$0xFFFFFE20] =	vst v28  }
0x109: {  	[tilespmem:s29+$0xFFFFFF10] =	vst v40;
	v28 =	vld.idx.msk [tilespmem:v31+s3+$0x0], $0xffff  }
0x10a: {  	[tilespmem:s29+$0xFFFFFD10] =	vst v27;
	v27 =	vld.idx.msk [tilespmem:v29+s3+$0x0], $0xffff  }
0x10b: {  	v29 =	vld.idx.msk [tilespmem:v30+s3+$0x0], $0xffff;
	[tilespmem:s29+$0xFFFFFEA0] =	vst v32;
	v30 =	vadd.s32 s25, v0;
	s25 =	smov.u32 s12  }
0x10c: {  	v31 =	vadd.s32 s0, v4;
	[tilespmem:s29+$0xFFFFFDA0] =	vst v36;
	v32 =	vld.idx.msk [tilespmem:v18+s3+$0x0], $0xffff;
	v18 =	vmov v25  }
0x10d: {  	v25 =	vld.idx.msk [tilespmem:v37+s3+$0x0], $0xffff;
	[tilespmem:s29+$0xFFFFFFA0] =	vst v21  }
0x10e: {  	[tilespmem:s29+$0xFFFFFC30] =	vst v35;
	v21 =	vld.idx.msk [tilespmem:v24+s3+$0x0], $0xffff  }
0x10f: {  	v24 =	vadd.s32 s11, v4;
	v26 =	vld.idx.msk [tilespmem:v26+s3+$0x0], $0xffff;
	[tilespmem:s22+$0xFFFFFF70] =	vst v28  }
0x110: {  	[tilespmem:s29+$0xFFFFFE30] =	vst v27;
	v27 =	vadd.s32 s1, v4;
	v28 =	vld.idx.msk [tilespmem:v30+s3+$0x0], $0xffff  }
0x111: {  	[tilespmem:s29+$0xFFFFFD20] =	vst v29;
	v29 =	vld.idx.msk [tilespmem:v31+s3+$0x0], $0xffff  }
0x112: {  	v31 =	vadd.s32 s25, v3;
	v30 =	vld.idx.msk [tilespmem:v42+s3+$0x0], $0xffff;
	[tilespmem:s22+$0xFFFFFC70] =	vst v32  }
0x113: {  	[tilespmem:s29+$0xFFFFFDB0] =	vst v25;
	v25 =	vld.idx.msk [tilespmem:v14+s3+$0x0], $0xffff;
	v14 =	vmov v22  }
0x114: {  	v22 =	vadd.s32 s31, v4;
	v24 =	vld.idx.msk [tilespmem:v24+s3+$0x0], $0xffff;
	[tilespmem:s29+$0xFFFFFEB0] =	vst v21  }
0x115: {  	v32 =	vadd.s32 s0, v5;
	v27 =	vld.idx.msk [tilespmem:v27+s3+$0x0], $0xffff;
	[tilespmem:s29+$0xFFFFFF20] =	vst v26  }
0x116: {  	v26 =	vld.idx.msk [tilespmem:v41+s3+$0x0], $0xffff;
	[tilespmem:s22+$0xFFFFFF80] =	vst v28  }
0x117: {  	v28 =	vadd.s32 s11, v5;
	v31 =	vld.idx.msk [tilespmem:v31+s3+$0x0], $0xffff;
	[tilespmem:s22+$0x0] =	vst v34  }
0x118: {  	v21 =	vld.idx.msk [tilespmem:v23+s3+$0x0], $0xffff;
	[tilespmem:s29+$0xFFFFFD30] =	vst v30;
	v23 =	vadd.s32 s1, v5  }
0x119: {  	v22 =	vld.idx.msk [tilespmem:v22+s3+$0x0], $0xffff;
	[tilespmem:s29+$0xFFFFFE40] =	vst v29;
	v29 =	vadd.s32 s25, v4  }
0x11a: {  	v30 =	vadd.s32 s24, v4;
	v32 =	vld.idx.msk [tilespmem:v32+s3+$0x0], $0xffff;
	[tilespmem:s22+$0xFFFFFC80] =	vst v25;
	s22 =	smov.u32 s29  }
0x11b: {  	v25 =	vadd.s32 s31, v5;
	[tilespmem:s29+$0xFFFFFDC0] =	vst v24;
	v24 =	vld.idx.msk [tilespmem:v33+s3+$0x0], $0xffff  }
0x11c: {  	v33 =	vadd.s32 s0, v7;
	v28 =	vld.idx.msk [tilespmem:v28+s3+$0x0], $0xffff;
	[tilespmem:s29+$0xFFFFFEC0] =	vst v27  }
0x11d: {  	v27 =	vadd.s32 s23, v4;
	v23 =	vld.idx.msk [tilespmem:v23+s3+$0x0], $0xffff;
	[tilespmem:s29+$0xFFFFFF30] =	vst v31  }
0x11e: {  	[tilespmem:s29+$0xFFFFFCB0] =	vst v26;
	v26 =	vadd.s32 s11, v7;
	v29 =	vld.idx.msk [tilespmem:v29+s3+$0x0], $0xffff  }
0x11f: {  	v30 =	vld.idx.msk [tilespmem:v30+s3+$0x0], $0xffff;
	[tilespmem:s29+$0xFFFFFD40] =	vst v22;
	v22 =	vadd.s32 s1, v7  }
0x120: {  	v31 =	vadd.s32 s25, v5;
	v25 =	vld.idx.msk [tilespmem:v25+s3+$0x0], $0xffff;
	[tilespmem:s29+$0xFFFFFE50] =	vst v32  }
0x121: {  	v32 =	vadd.s32 s24, v5;
	v33 =	vld.idx.msk [tilespmem:v33+s3+$0x0], $0xffff;
	[tilespmem:s29+$0xFFFFFFB0] =	vst v24  }
0x122: {  	v24 =	vadd.s32 s31, v7;
	[tilespmem:s29+$0xFFFFFDD0] =	vst v28;
	v27 =	vld.idx.msk [tilespmem:v27+s3+$0x0], $0xffff  }
0x123: {  	v28 =	vadd.s32 s0, v6;
	v26 =	vld.idx.msk [tilespmem:v26+s3+$0x0], $0xffff;
	[tilespmem:s29+$0xFFFFFED0] =	vst v23  }
0x124: {  	v23 =	vadd.s32 s23, v5;
	v22 =	vld.idx.msk [tilespmem:v22+s3+$0x0], $0xffff;
	[tilespmem:s29+$0xFFFFFF40] =	vst v29  }
0x125: {  	v29 =	vadd.s32 s11, v6;
	[tilespmem:s29+$0xFFFFFCC0] =	vst v30;
	v30 =	vld.idx.msk [tilespmem:v31+s3+$0x0], $0xffff  }
0x126: {  	v31 =	vld.idx.msk [tilespmem:v32+s3+$0x0], $0xffff;
	[tilespmem:s29+$0xFFFFFD50] =	vst v25;
	v25 =	vadd.s32 s1, v6  }
0x127: {  	v32 =	vld.idx.msk [tilespmem:v24+s3+$0x0], $0xffff;
	[tilespmem:s29+$0xFFFFFE60] =	vst v33;
	v24 =	vadd.s32 s25, v7  }
0x128: {  	v33 =	vadd.s32 s24, v7;
	v28 =	vld.idx.msk [tilespmem:v28+s3+$0x0], $0xffff;
	[tilespmem:s29+$0xFFFFFFC0] =	vst v27  }
0x129: {  	v27 =	vadd.s32 s31, v6;
	[tilespmem:s29+$0xFFFFFDE0] =	vst v26;
	v23 =	vld.idx.msk [tilespmem:v23+s3+$0x0], $0xffff  }
0x12a: {  	v34 =	vld.idx.msk [tilespmem:v29+s3+$0x0], $0xffff;
	v29 =	vadd.s32 s0, v0;
	[tilespmem:s29+$0xFFFFFEE0] =	vst v22  }
0x12b: {  	v35 =	vadd.s32 s23, v7;
	v37 =	vld.idx.msk [tilespmem:v25+s3+$0x0], $0xffff;
	[tilespmem:s29+$0xFFFFFF50] =	vst v30  }
0x12c: {  	v38 =	vadd.s32 s11, v0;
	[tilespmem:s29+$0xFFFFFCD0] =	vst v31;
	v24 =	vld.idx.msk [tilespmem:v24+s3+$0x0], $0xffff  }
.Ltmp1:
0x12d: {  	v26 =	vld.idx.msk [tilespmem:v33+s3+$0x0], $0xffff;
	[tilespmem:s29+$0xFFFFFD60] =	vst v32;
	v33 =	vadd.s32 s1, v0;
	(pc) =	sbr.rel @p0 .LBB2_5-.Ltmp1, $4  }
0x12e: {  	v30 =	vld.idx.msk [tilespmem:v27+s3+$0x0], $0xffff;
	[tilespmem:s29+$0xFFFFFE70] =	vst v28  }
0x12f: {  	v27 =	vadd.s32 s23, v6;
	v28 =	vld.idx.msk [tilespmem:v29+s3+$0x0], $0xffff;
	[tilespmem:s29+$0xFFFFFFD0] =	vst v23  }
0x130: {  	v22 =	vadd.s32 s28, v17;
	v25 =	vadd.s32 s28, v16;
	v29 =	vadd.s32 s31, v0;
	[tilespmem:s29+$0xFFFFFDF0] =	vst v34;
	v31 =	vld.idx.msk [tilespmem:v35+s3+$0x0], $0xffff  }
0x131: {  	v36 =	vadd.s32 s30, v13;
	s28 =	sadd.s32 $0x2EE0, s28;
	v32 =	vadd.s32 s30, v15;
	v35 =	vadd.s32 s30, v8;
	s29 =	sadd.s32 $0x400, s29;
	v34 =	vld.idx.msk [tilespmem:v38+s3+$0x0], $0xffff;
	[tilespmem:s22+$0xFFFFFEF0] =	vst v37  }
0x132: {  	_ =	sdelay $0x2  }
0x133: {  	[tilespmem:s22+$0xFFFFFC40] =	vst v21  }
0x134: {  	v1 =	vld.idx.msk [tilespmem:v20+s3+$0x0], $0xffff;
	_ =	sdelay $0x4  }
0x135: {  	[tilespmem:s22+$0xFFFFFC50] =	vst v1  }
0x136: {  	v59 =	vadd.s32 s25, v6;
	v2 =	vld.idx.msk [tilespmem:v19+s3+$0x0], $0xffff  }
0x137: {  	[tilespmem:s22+$0xFFFFFCE0] =	vst v26  }
0x138: {  	[tilespmem:s22+$0xFFFFFF60] =	vst v24  }
0x139: {  	v3 =	vld.idx.msk [tilespmem:v11+s3+$0x0], $0xffff;
	[tilespmem:s22+$0xFFFFFFE0] =	vst v31  }
0x13a: {  	v4 =	vadd.s32 s24, v0;
	[tilespmem:s22+$0xFFFFFD70] =	vst v30;
	v5 =	vld.idx.msk [tilespmem:v27+s3+$0x0], $0xffff  }
0x13b: {  	v61 =	vadd.s32 s23, v0;
	v1 =	vld.idx.msk [tilespmem:v59+s3+$0x0], $0xffff;
	[tilespmem:s22+$0xFFFFFC60] =	vst v2  }
0x13c: {  	v60 =	vadd.s32 s25, v0;
	[tilespmem:s22+$0xFFFFFE80] =	vst v28;
	v62 =	vld.idx.msk [tilespmem:v18+s3+$0x0], $0xffff  }
0x13d: {  	v7 =	vld.idx.msk [tilespmem:v33+s3+$0x0], $0xffff;
	[tilespmem:s22+$0xFFFFFE00] =	vst v34  }
0x13e: {  	v8 =	vld.idx.msk [tilespmem:v29+s3+$0x0], $0xffff;
	[tilespmem:s22+$0xFFFFFCF0] =	vst v3  }
0x13f: {  	v3 =	vld.idx.msk [tilespmem:v4+s3+$0x0], $0xffff;
	[tilespmem:s22+$0xFFFFFFF0] =	vst v5  }
0x140: {  	v0 =	vld.idx.msk [tilespmem:v61+s3+$0x0], $0xffff;
	[tilespmem:s22+$0xFFFFFF70] =	vst v1  }
0x141: {  	v1 =	vld.idx.msk [tilespmem:v60+s3+$0x0], $0xffff;
	[tilespmem:s22+$0xFFFFFC70] =	vst v62  }
0x142: {  	s20 =	sadd.s32 $0x1, s20;
	[tilespmem:s22+$0xFFFFFF00] =	vst v7;
	v63 =	vld.idx.msk [tilespmem:v14+s3+$0x0], $0xffff  }
0x143: {  	p0 =	sne.s32 s20, $0x19;
	[tilespmem:s22+$0xFFFFFD80] =	vst v8  }
.Ltmp2:
0x144: {  	s0 =	sshll.u32 s21, $0x12;
	[tilespmem:s22+$0xFFFFFD00] =	vst v3;
	(pc) =	sbr.rel @p0 .LBB2_2-.Ltmp2, $4  }
0x145: {  	s0 =	sor.u32 s4, s0;
	[tilespmem:s22+$0x0] =	vst v0  }
0x146: {  	s0 =	sshrl.u32 s0, $0x3;
	[tilespmem:s22+$0xFFFFFF80] =	vst v1  }
0x147: {  	s0 =	sadd.s32 s2, s0;
	[tilespmem:s22+$0xFFFFFC80] =	vst v63  }
0x148: {  	[hbm4b:s0+s9] =	stream.strided.scatter [tilespmem:s16], [sflag:$0x2], $0x2000, s10, s9, $0x38;
	[tilespmem:$0x1D300] =	vst v63  }
0x149: {  	s19 =	sadd.s32 $0x1, s19  }
0x14a: {  	_ =	swait.ge [sflag:s17], $0x2000;
	p0 =	sne.s32 s19, s8  }
.Ltmp3:
0x14b: {  	[sflag:s17] =	ssyncset.done $0x0;
	(pc) =	sbr.rel @p0 .LBB2_1-.Ltmp3, $4  }
0x14c: {  	[sflag:s17] =	ssyncadd.s32 $0xFFFFE000  }
0x14d: {  	_ =	swait.ge [sflag:s18], $0x2000  }
0x14e: {  	[sflag:s18] =	ssyncset.done $0x0  }
0x14f: {  	[sflag:s18] =	ssyncadd.s32 $0xFFFFE000  }
0x150: {  	_ =	sfence.sel $0x180000  }
0x151: {  	[bflag:$0x0] =	sbarrier.arrive $0xFFFF  }
0x152: {  	_ =	strace $0x90000047  }
0x153: {  	s0 =	stileid.u32;
	[bflag:$0x2] =	sbarrier.arrive $0xFFFF  }
0x154: {  	p0 =	sne.s32 s0, $0x0;
	s0 =	rddreg [dreg:$0x3]  }
0x155: {  	s0 =	sadd.s32 @!p0 $0x100000, s0  }
0x156: {  	[sflag:s0] =	ssyncadd.tile.s32 @!p0 $0x1;
	_ =	shalt  }
.Lfunc_end2:
_tile_overlayer_lowered:
.L_overlay_start_2:
0x157: {  	(tag) =	ssettag $0x2  }
0x158: {  	s0 =	rddreg [dreg:$0x0];
	s2 =	stileid.u32  }
0x159: {  	s1 =	rddreg [dreg:$0x1];
	p0 =	sne.s32 s2, $0x0  }
0x15a: {  	s3 =	rddreg [dreg:$0x2];
	[bflag:$0x3] =	sbarrier.arrive $0xFFFF;
	s2 =	simm.s32 @!p0 $0x1C05  }
0x15b: {  	[timem:s3], [sflag:s2] =	dma.local @!p0 [hbm:s0], s1  }
0x15c: {  	s0 =	simm.s32 @!p0 $0x5  }
0x15d: {  	_ =	swait.ge @!p0 [sflag:s0], s1  }
0x15e: {  	s1 =	ssub.s32 @!p0 $0x0, s1;
	[sflag:s0] =	ssyncset.done @!p0 $0x0  }
0x15f: {  	[sflag:s0] =	ssyncadd.s32 @!p0 s1  }
0x160: {  	[bflag:$0x3] =	sbarrier.arrive $0xFFFF  }
0x161: {  	_ =	shalt  }

</sc_bundles>
